<compile_context>
chip_gen: v7x
topology: tpu7x:2x2x1
jax: 0.10.2.dev20260603
libtpu: 0.0.44.dev20260713+nightly
codegen_flags: <defaults>
</compile_context>

<pallas_src>
import functools

import jax
import jax.numpy as jnp
import numpy as np
from jax import lax
from jax.experimental import pallas as pl
from jax.experimental.pallas import tpu as pltpu
from jax.experimental.pallas import tpu_sc as plsc

N = 10000
E = 320000
D = 128
NC = 2
NS = 16
NT = NC * NS
CH = 128
CPT = 80
EPT = CPT * CH
ECH = E // CH
RCH31 = ECH - (NT - 1) * CPT
PCH = NT * CPT - ECH
NPAD = 10240
STRIPE = NPAD // NS

NPE = PCH * CH
R31 = E - (NT - 1) * EPT
_EPAD = np.stack([
    (N + np.arange(NPE) % (NPAD - N)).astype(np.int32),
    ((np.arange(NPE) * 37) % N).astype(np.int32),
])

_mesh = plsc.VectorSubcoreMesh(
    core_axis_name="c", subcore_axis_name="s", num_cores=NC, num_subcores=NS
)


HR = NPAD // CH


@functools.partial(
    pl.kernel,
    out_type=jax.ShapeDtypeStruct((NC, HR, CH), jnp.float32),
    mesh=_mesh,
    scratch_types=[
        pltpu.VMEM((2, EPT), jnp.int32),
        pltpu.VMEM((HR, CH), jnp.float32),
        pltpu.VMEM((HR,), jnp.int32),
        pltpu.VMEM((16, CH), jnp.float32),
        pltpu.VMEM_SHARED((HR, CH), jnp.float32),
    ],
    compiler_params=pltpu.CompilerParams(needs_layout_passes=False),
)
def _degree_kernel(ei_hbm, pad_hbm, out_hbm, eidx_v, hist_v, riota_v, zbuf_v,
                   hist_sh):
    c = lax.axis_index("c")
    s = lax.axis_index("s")
    g = c * NS + s

    @pl.when(g < NT - 1)
    def _():
        pltpu.sync_copy(ei_hbm.at[:, pl.ds(g * EPT, EPT)], eidx_v)

    @pl.when(g == NT - 1)
    def _():
        pltpu.sync_copy(
            ei_hbm.at[:, pl.ds((NT - 1) * EPT, R31)], eidx_v.at[:, pl.ds(0, R31)]
        )
        pltpu.sync_copy(pad_hbm, eidx_v.at[:, pl.ds(R31, NPE)])

    zero = jnp.zeros((16,), jnp.float32)
    lanes = lax.iota(jnp.int32, 16)
    for k in range(HR // 16):
        riota_v[pl.ds(k * 16, 16)] = lanes + (k * 16)

    @pl.when(s == 0)
    def _():
        def zsh(i, carry):
            for u in range(CH // 16):
                zbuf_v[i, pl.ds(u * 16, 16)] = zero
            return carry

        lax.fori_loop(0, 16, zsh, 0)
        for k in range(HR // 16):
            pltpu.sync_copy(zbuf_v, hist_sh.at[pl.ds(k * 16, 16)])

    def zbody(i, carry):
        for u in range(CH // 16):
            hist_v[i, pl.ds(u * 16, 16)] = zero
        return carry

    lax.fori_loop(0, HR, zbody, 0)

    def body(j, carry):
        for u in range(CH // 16):
            idx = eidx_v[0, pl.ds(j * CH + u * 16, 16)]
            cnt, last = plsc.scan_count(idx)
            plsc.addupdate_scatter(
                hist_v,
                [lax.shift_right_logical(idx, 7), lax.bitwise_and(idx, 127)],
                cnt.astype(jnp.float32),
                mask=last,
            )
        return carry

    lax.fori_loop(0, CPT, body, 0)
    plsc.subcore_barrier()
    pltpu.sync_copy(hist_v, hist_sh.at[riota_v], add=True)
    plsc.subcore_barrier()

    @pl.when(s == 0)
    def _():
        pltpu.sync_copy(hist_sh, out_hbm.at[c])


def _prescale_body(h_ref, x_ref, y_ref):
    h = h_ref[...]
    deg = h[0:1] + h[1:2]
    safe = jnp.where(deg > 0, deg, 1.0)
    dinv = jnp.where(deg > 0, lax.rsqrt(safe), 0.0)
    dcol = jnp.transpose(dinv)
    y_ref[...] = x_ref[...] * dcol[:N]


@functools.partial(
    pl.kernel,
    out_type=jax.ShapeDtypeStruct((NC, NPAD, D), jnp.float32),
    mesh=_mesh,
    scratch_types=[
        pltpu.VMEM((2, CPT // 2 * CH), jnp.int32),
        pltpu.VMEM((CPT // 2, CH), jnp.int32),
        pltpu.VMEM((CH, D), jnp.float32),
        pltpu.VMEM((CH, D), jnp.float32),
        pltpu.VMEM_SHARED((NPAD, D), jnp.float32),
        pltpu.SemaphoreType.DMA,
        pltpu.SemaphoreType.DMA,
    ],
)
def _spmm_kernel(ei_hbm, pad_hbm, y_hbm, zeros_hbm,
                 out_hbm, eidx_v, ridx_v, gbuf0, gbuf1, acc_sh, sem0, sem1):
    c = lax.axis_index("c")
    s = lax.axis_index("s")
    g = c * NS + s
    hcpt = CPT // 2
    hept = hcpt * CH

    def stage(ph):
        @pl.when(g < NT - 1)
        def _():
            pltpu.sync_copy(ei_hbm.at[:, pl.ds(g * EPT + ph * hept, hept)], eidx_v)

        @pl.when(g == NT - 1)
        def _():
            if ph == 0:
                pltpu.sync_copy(
                    ei_hbm.at[:, pl.ds((NT - 1) * EPT, R31)],
                    eidx_v.at[:, pl.ds(0, R31)],
                )
                pltpu.sync_copy(
                    pad_hbm.at[:, pl.ds(0, hept - R31)],
                    eidx_v.at[:, pl.ds(R31, hept - R31)],
                )
            else:
                pltpu.sync_copy(pad_hbm.at[:, pl.ds(hept - R31, hept)], eidx_v)

        def rbody(j, carry):
            for u in range(CH // 16):
                ridx_v[j, pl.ds(u * 16, 16)] = eidx_v[0, pl.ds(j * CH + u * 16, 16)]
            return carry

        lax.fori_loop(0, hcpt, rbody, 0)

    def cidx(j):
        return eidx_v.at[1, pl.ds(j * CH, CH)]

    stage(0)
    pltpu.async_copy(y_hbm.at[cidx(0)], gbuf0, sem0)
    pltpu.sync_copy(
        zeros_hbm.at[pl.ds(s * STRIPE, STRIPE)],
        acc_sh.at[pl.ds(s * STRIPE, STRIPE)],
    )
    plsc.subcore_barrier()

    for ph in range(2):
        if ph:
            stage(ph)
            pltpu.async_copy(y_hbm.at[cidx(0)], gbuf0, sem0)

        def body(i, carry):
            j0 = 2 * i
            j1 = j0 + 1
            pltpu.async_copy(y_hbm.at[cidx(j1)], gbuf1, sem1)
            pltpu.make_async_copy(y_hbm.at[cidx(j0)], gbuf0, sem0).wait()
            pltpu.sync_copy(gbuf0, acc_sh.at[ridx_v.at[j0]], add=True)

            @pl.when(j0 + 2 < hcpt)
            def _():
                pltpu.async_copy(y_hbm.at[cidx(j0 + 2)], gbuf0, sem0)

            pltpu.make_async_copy(y_hbm.at[cidx(j1)], gbuf1, sem1).wait()
            pltpu.sync_copy(gbuf1, acc_sh.at[ridx_v.at[j1]], add=True)
            return carry

        lax.fori_loop(0, hcpt // 2, body, 0)
    plsc.subcore_barrier()
    pltpu.sync_copy(
        acc_sh.at[pl.ds(s * STRIPE, STRIPE)],
        out_hbm.at[c, pl.ds(s * STRIPE, STRIPE)],
    )


def _post_body(h_ref, p_ref, o_ref):
    h = h_ref[...]
    deg = h[0:1] + h[1:2]
    safe = jnp.where(deg > 0, deg, 1.0)
    dinv = jnp.where(deg > 0, lax.rsqrt(safe), 0.0)
    dcol = jnp.transpose(dinv)
    o_ref[...] = (p_ref[0, :N, :] + p_ref[1, :N, :]) * dcol[:N]


def kernel(features, edge_index):
    features = features.astype(jnp.float32)
    ei = edge_index.astype(jnp.int32)
    zeros = jnp.zeros((NPAD, D), jnp.float32)

    hist3 = _degree_kernel(ei, _EPAD)
    hist = hist3.reshape(NC, NPAD)

    y = pl.pallas_call(
        _prescale_body,
        out_shape=jax.ShapeDtypeStruct((N, D), jnp.float32),
    )(hist, features)

    partials = _spmm_kernel(ei, _EPAD, y, zeros)

    out = pl.pallas_call(
        _post_body,
        out_shape=jax.ShapeDtypeStruct((N, D), jnp.float32),
    )(hist, partials)
    return out

# --- scband reference (transcript-rebuilt; emitter-appended) ---
"""Pipeline reference for scband-gcn-layer-52458730553674 (READ-ONLY COPY).

The authoritative reference and input builder live on the scoring server;
editing this copy changes nothing except your own understanding.
"""

import jax, jax.numpy as jnp
import numpy as np

N_NODES = 10000
N_EDGES = 320000
D_FEAT = 128

def setup_inputs(seed: int = 0) -> dict:
    key = jax.random.key(seed)
    k1, k2 = jax.random.split(key)
    features = jax.random.normal(k1, (N_NODES, D_FEAT), dtype=jnp.float32)
    edge_index = jax.random.randint(k2, (2, N_EDGES), 0, N_NODES)
    return {"features": features, "edge_index": edge_index}

def reference(features, edge_index):
    # Faithful translation of GCN_layer.forward:
    #   adj_hat = D^{-1/2} A D^{-1/2} (rowsum-based degree, zeros -> 0)
    #   out = spmm(adj_hat, features)
    # Adjacency A is given in COO form via edge_index with implicit values 1.0.
    n = features.shape[0]
    row = edge_index[0]
    col = edge_index[1]
    ones = jnp.ones(row.shape[0], dtype=features.dtype)
    # rowsum = adj.sum(1)
    rowsum = jax.ops.segment_sum(ones, row, num_segments=n)
    # d_inv_sqrt with inf -> 0 (as in normalize_adj)
    safe = jnp.where(rowsum > 0, rowsum, 1.0)
    d_inv_sqrt = jnp.where(rowsum > 0, safe ** -0.5, 0.0)
    # normalized edge values: d_inv_sqrt[row] * 1.0 * d_inv_sqrt[col]
    vals = d_inv_sqrt[row] * d_inv_sqrt[col]
    # spmm: out[row] += vals * features[col]
    gathered = jnp.take(features, col, axis=0) * vals[:, None]
    out_features = jax.ops.segment_sum(gathered, row, num_segments=n)
    return out_features

if __name__ == "__main__":
    import jax
    _d = setup_inputs()
    print(jax.jit(kernel)(*tuple(_d.values())))

</pallas_src>

<mosaic_0001>
#map = affine_map<(d0, d1) -> (0, 0)>
#map1 = affine_map<(d0, d1) -> (0, 0, 0)>
module attributes {stable_mosaic.version = 14 : i64} {
  func.func @_spmm_kernel(%arg0: i32, %arg1: i32, %arg2: memref<2x320000xi32, #tpu.memory_space<hbm>>, %arg3: memref<2x7680xi32, #tpu.memory_space<hbm>>, %arg4: memref<10000x128xf32, #tpu.memory_space<hbm>>, %arg5: memref<10240x128xf32, #tpu.memory_space<hbm>>, %arg6: memref<2x10240x128xf32, #tpu.memory_space<hbm>>, %arg7: memref<2x5120xi32, #tpu.memory_space<vmem>>, %arg8: memref<40x128xi32, #tpu.memory_space<vmem>>, %arg9: memref<128x128xf32, #tpu.memory_space<vmem>>, %arg10: memref<128x128xf32, #tpu.memory_space<vmem>>, %arg11: memref<10240x128xf32, #tpu.memory_space<vmem_shared>>, %arg12: memref<!tpu.dma_semaphore, #tpu.memory_space<semaphore_mem>>, %arg13: memref<!tpu.dma_semaphore, #tpu.memory_space<semaphore_mem>>) attributes {dimension_semantics = [#tpu.dimension_semantics<core_parallel>, #tpu.dimension_semantics<subcore_parallel>], iteration_bounds = array<i64: 2, 16>, scalar_prefetch = 0 : i64, scratch_operands = 7 : i64, tpu.core_type = #tpu.core_type<sc_vector_subcore>, window_params = [{transform_indices = #map}, {transform_indices = #map}, {transform_indices = #map}, {transform_indices = #map}, {transform_indices = #map1}]} {
    %mul3A = arith.constant 16 : i32
    %mul3A_0 = arith.muli %arg0, %mul3A : i32
    %add3A = arith.addi %mul3A_0, %arg1 : i32
    %lt3A = arith.constant 31 : i32
    %lt3A_1 = arith.cmpi slt, %add3A, %lt3A : i32
    %convert_element_type3A = arith.extui %lt3A_1 : i1 to i32
    %cond3A = arith.constant 0 : i32
    %cond3A_2 = arith.cmpi ne, %convert_element_type3A, %cond3A : i32
    scf.if %cond3A_2 {
      %mul3A_62 = arith.constant 10240 : i32
      %mul3A_63 = arith.muli %add3A, %mul3A_62 : i32
      %add3A_64 = arith.constant 0 : i32
      %add3A_65 = arith.addi %mul3A_63, %add3A_64 : i32
      "tpu.region"() ({
        %run_scoped3A = tpu.sem_alloc : memref<!tpu.dma_semaphore, #tpu.memory_space<semaphore_mem>>
        %dma_start3A_66 = arith.constant 0 : i32
        %dma_start3A_67 = tpu.memref_slice %arg2[%dma_start3A_66, %add3A_65] : memref<2x320000xi32, #tpu.memory_space<hbm>> -> memref<2x5120xi32, #tpu.memory_space<hbm>>
        %dma_start3A_68 = arith.constant 0 : i32
        %dma_start3A_69 = tpu.memref_slice %arg2[%dma_start3A_68, %add3A_65] : memref<2x320000xi32, #tpu.memory_space<hbm>> -> memref<2x5120xi32, #tpu.memory_space<hbm>>
        tpu.enqueue_dma source(%dma_start3A_69 : memref<2x5120xi32, #tpu.memory_space<hbm>>) target(%arg7 : memref<2x5120xi32, #tpu.memory_space<vmem>>) target_semaphore(%run_scoped3A : memref<!tpu.dma_semaphore, #tpu.memory_space<semaphore_mem>>)
        %dma_wait3A = arith.constant 0 : i32
        %dma_wait3A_70 = tpu.memref_slice %arg2[%dma_wait3A, %add3A_65] : memref<2x320000xi32, #tpu.memory_space<hbm>> -> memref<2x5120xi32, #tpu.memory_space<hbm>>
        %dma_wait3A_71 = arith.constant 0 : i32
        %dma_wait3A_72 = tpu.memref_slice %arg2[%dma_wait3A_71, %add3A_65] : memref<2x320000xi32, #tpu.memory_space<hbm>> -> memref<2x5120xi32, #tpu.memory_space<hbm>>
        tpu.wait_dma2 semaphore(%run_scoped3A : memref<!tpu.dma_semaphore, #tpu.memory_space<semaphore_mem>>) src(%dma_wait3A_72 : memref<2x5120xi32, #tpu.memory_space<hbm>>) dst(%arg7 : memref<2x5120xi32, #tpu.memory_space<vmem>>)
        tpu.yield
      }) : () -> ()
    } else {
    }
    %eq3A = arith.constant 31 : i32
    %eq3A_3 = arith.cmpi eq, %add3A, %eq3A : i32
    %convert_element_type3A_4 = arith.extui %eq3A_3 : i1 to i32
    %cond3A_5 = arith.constant 0 : i32
    %cond3A_6 = arith.cmpi ne, %convert_element_type3A_4, %cond3A_5 : i32
    scf.if %cond3A_6 {
      "tpu.region"() ({
        %run_scoped3A = tpu.sem_alloc : memref<!tpu.dma_semaphore, #tpu.memory_space<semaphore_mem>>
        %dma_start3A_62 = arith.constant 0 : i32
        %dma_start3A_63 = arith.constant 0 : i32
        %dma_start3A_64 = tpu.memref_slice %arg7[%dma_start3A_62, %dma_start3A_63] : memref<2x5120xi32, #tpu.memory_space<vmem>> -> memref<2x2560xi32, #tpu.memory_space<vmem>>
        %dma_start3A_65 = arith.constant 0 : i32
        %dma_start3A_66 = arith.constant 317440 : i32
        %dma_start3A_67 = tpu.memref_slice %arg2[%dma_start3A_65, %dma_start3A_66] : memref<2x320000xi32, #tpu.memory_space<hbm>> -> memref<2x2560xi32, #tpu.memory_space<hbm>>
        %dma_start3A_68 = arith.constant 0 : i32
        %dma_start3A_69 = arith.constant 0 : i32
        %dma_start3A_70 = tpu.memref_slice %arg7[%dma_start3A_68, %dma_start3A_69] : memref<2x5120xi32, #tpu.memory_space<vmem>> -> memref<2x2560xi32, #tpu.memory_space<vmem>>
        %dma_start3A_71 = arith.constant 0 : i32
        %dma_start3A_72 = arith.constant 317440 : i32
        %dma_start3A_73 = tpu.memref_slice %arg2[%dma_start3A_71, %dma_start3A_72] : memref<2x320000xi32, #tpu.memory_space<hbm>> -> memref<2x2560xi32, #tpu.memory_space<hbm>>
        tpu.enqueue_dma source(%dma_start3A_73 : memref<2x2560xi32, #tpu.memory_space<hbm>>) target(%dma_start3A_70 : memref<2x2560xi32, #tpu.memory_space<vmem>>) target_semaphore(%run_scoped3A : memref<!tpu.dma_semaphore, #tpu.memory_space<semaphore_mem>>)
        %dma_wait3A = arith.constant 0 : i32
        %dma_wait3A_74 = arith.constant 0 : i32
        %dma_wait3A_75 = tpu.memref_slice %arg7[%dma_wait3A, %dma_wait3A_74] : memref<2x5120xi32, #tpu.memory_space<vmem>> -> memref<2x2560xi32, #tpu.memory_space<vmem>>
        %dma_wait3A_76 = arith.constant 0 : i32
        %dma_wait3A_77 = arith.constant 317440 : i32
        %dma_wait3A_78 = tpu.memref_slice %arg2[%dma_wait3A_76, %dma_wait3A_77] : memref<2x320000xi32, #tpu.memory_space<hbm>> -> memref<2x2560xi32, #tpu.memory_space<hbm>>
        %dma_wait3A_79 = arith.constant 0 : i32
        %dma_wait3A_80 = arith.constant 0 : i32
        %dma_wait3A_81 = tpu.memref_slice %arg7[%dma_wait3A_79, %dma_wait3A_80] : memref<2x5120xi32, #tpu.memory_space<vmem>> -> memref<2x2560xi32, #tpu.memory_space<vmem>>
        %dma_wait3A_82 = arith.constant 0 : i32
        %dma_wait3A_83 = arith.constant 317440 : i32
        %dma_wait3A_84 = tpu.memref_slice %arg2[%dma_wait3A_82, %dma_wait3A_83] : memref<2x320000xi32, #tpu.memory_space<hbm>> -> memref<2x2560xi32, #tpu.memory_space<hbm>>
        tpu.wait_dma2 semaphore(%run_scoped3A : memref<!tpu.dma_semaphore, #tpu.memory_space<semaphore_mem>>) src(%dma_wait3A_84 : memref<2x2560xi32, #tpu.memory_space<hbm>>) dst(%dma_wait3A_81 : memref<2x2560xi32, #tpu.memory_space<vmem>>)
        tpu.yield
      }) : () -> ()
      "tpu.region"() ({
        %run_scoped3A = tpu.sem_alloc : memref<!tpu.dma_semaphore, #tpu.memory_space<semaphore_mem>>
        %dma_start3A_62 = arith.constant 0 : i32
        %dma_start3A_63 = arith.constant 2560 : i32
        %dma_start3A_64 = tpu.memref_slice %arg7[%dma_start3A_62, %dma_start3A_63] : memref<2x5120xi32, #tpu.memory_space<vmem>> -> memref<2x2560xi32, #tpu.memory_space<vmem>>
        %dma_start3A_65 = arith.constant 0 : i32
        %dma_start3A_66 = arith.constant 0 : i32
        %dma_start3A_67 = tpu.memref_slice %arg3[%dma_start3A_65, %dma_start3A_66] : memref<2x7680xi32, #tpu.memory_space<hbm>> -> memref<2x2560xi32, #tpu.memory_space<hbm>>
        %dma_start3A_68 = arith.constant 0 : i32
        %dma_start3A_69 = arith.constant 2560 : i32
        %dma_start3A_70 = tpu.memref_slice %arg7[%dma_start3A_68, %dma_start3A_69] : memref<2x5120xi32, #tpu.memory_space<vmem>> -> memref<2x2560xi32, #tpu.memory_space<vmem>>
        %dma_start3A_71 = arith.constant 0 : i32
        %dma_start3A_72 = arith.constant 0 : i32
        %dma_start3A_73 = tpu.memref_slice %arg3[%dma_start3A_71, %dma_start3A_72] : memref<2x7680xi32, #tpu.memory_space<hbm>> -> memref<2x2560xi32, #tpu.memory_space<hbm>>
        tpu.enqueue_dma source(%dma_start3A_73 : memref<2x2560xi32, #tpu.memory_space<hbm>>) target(%dma_start3A_70 : memref<2x2560xi32, #tpu.memory_space<vmem>>) target_semaphore(%run_scoped3A : memref<!tpu.dma_semaphore, #tpu.memory_space<semaphore_mem>>)
        %dma_wait3A = arith.constant 0 : i32
        %dma_wait3A_74 = arith.constant 2560 : i32
        %dma_wait3A_75 = tpu.memref_slice %arg7[%dma_wait3A, %dma_wait3A_74] : memref<2x5120xi32, #tpu.memory_space<vmem>> -> memref<2x2560xi32, #tpu.memory_space<vmem>>
        %dma_wait3A_76 = arith.constant 0 : i32
        %dma_wait3A_77 = arith.constant 0 : i32
        %dma_wait3A_78 = tpu.memref_slice %arg3[%dma_wait3A_76, %dma_wait3A_77] : memref<2x7680xi32, #tpu.memory_space<hbm>> -> memref<2x2560xi32, #tpu.memory_space<hbm>>
        %dma_wait3A_79 = arith.constant 0 : i32
        %dma_wait3A_80 = arith.constant 2560 : i32
        %dma_wait3A_81 = tpu.memref_slice %arg7[%dma_wait3A_79, %dma_wait3A_80] : memref<2x5120xi32, #tpu.memory_space<vmem>> -> memref<2x2560xi32, #tpu.memory_space<vmem>>
        %dma_wait3A_82 = arith.constant 0 : i32
        %dma_wait3A_83 = arith.constant 0 : i32
        %dma_wait3A_84 = tpu.memref_slice %arg3[%dma_wait3A_82, %dma_wait3A_83] : memref<2x7680xi32, #tpu.memory_space<hbm>> -> memref<2x2560xi32, #tpu.memory_space<hbm>>
        tpu.wait_dma2 semaphore(%run_scoped3A : memref<!tpu.dma_semaphore, #tpu.memory_space<semaphore_mem>>) src(%dma_wait3A_84 : memref<2x2560xi32, #tpu.memory_space<hbm>>) dst(%dma_wait3A_81 : memref<2x2560xi32, #tpu.memory_space<vmem>>)
        tpu.yield
      }) : () -> ()
    } else {
    }
    %scan3A = arith.constant 0 : i32
    %scan3A_7 = arith.constant 0 : i32
    %scan3A_8 = arith.constant 40 : i32
    %scan3A_9 = arith.addi %scan3A_7, %scan3A_8 : i32
    %scan3A_10 = arith.constant 1 : i32
    scf.for %scan3A_62 = %scan3A_7 to %scan3A_9 step %scan3A_10  : i32 {
      %mul3A_63 = arith.constant 128 : i32
      %mul3A_64 = arith.muli %scan3A_62, %mul3A_63 : i32
      %add3A_65 = arith.constant 0 : i32
      %add3A_66 = arith.addi %mul3A_64, %add3A_65 : i32
      %get3A = arith.constant 0 : i32
      %get3A_67 = arith.index_cast %get3A : i32 to index
      %get3A_68 = arith.index_cast %add3A_66 : i32 to index
      %get3A_69 = tpu.vector_load %arg7[%get3A_67, %get3A_68] {strides = array<i32>} : memref<2x5120xi32, #tpu.memory_space<vmem>>, vector<1x16xi32>,
      %get3A_70 = vector.shape_cast %get3A_69 : vector<1x16xi32> to vector<16xi32>
      %swap3A = arith.index_cast %scan3A_62 : i32 to index
      %swap3A_71 = arith.constant 0 : index
      %swap3A_72 = tpu.vector_load %arg8[%swap3A, %swap3A_71] {strides = array<i32>} : memref<40x128xi32, #tpu.memory_space<vmem>>, vector<1x16xi32>,
      %swap3A_73 = vector.shape_cast %swap3A_72 : vector<1x16xi32> to vector<16xi32>
      %swap3A_74 = vector.shape_cast %get3A_70 : vector<16xi32> to vector<1x16xi32>
      tpu.vector_store %arg8[%swap3A, %swap3A_71], %swap3A_74 {strides = array<i32>} : memref<40x128xi32, #tpu.memory_space<vmem>>, vector<1x16xi32>,
      %mul3A_75 = arith.constant 128 : i32
      %mul3A_76 = arith.muli %scan3A_62, %mul3A_75 : i32
      %add3A_77 = arith.constant 16 : i32
      %add3A_78 = arith.addi %mul3A_76, %add3A_77 : i32
      %get3A_79 = arith.constant 0 : i32
      %get3A_80 = arith.index_cast %get3A_79 : i32 to index
      %get3A_81 = arith.index_cast %add3A_78 : i32 to index
      %get3A_82 = tpu.vector_load %arg7[%get3A_80, %get3A_81] {strides = array<i32>} : memref<2x5120xi32, #tpu.memory_space<vmem>>, vector<1x16xi32>,
      %get3A_83 = vector.shape_cast %get3A_82 : vector<1x16xi32> to vector<16xi32>
      %swap3A_84 = arith.index_cast %scan3A_62 : i32 to index
      %swap3A_85 = arith.constant 16 : index
      %swap3A_86 = tpu.vector_load %arg8[%swap3A_84, %swap3A_85] {strides = array<i32>} : memref<40x128xi32, #tpu.memory_space<vmem>>, vector<1x16xi32>,
      %swap3A_87 = vector.shape_cast %swap3A_86 : vector<1x16xi32> to vector<16xi32>
      %swap3A_88 = vector.shape_cast %get3A_83 : vector<16xi32> to vector<1x16xi32>
      tpu.vector_store %arg8[%swap3A_84, %swap3A_85], %swap3A_88 {strides = array<i32>} : memref<40x128xi32, #tpu.memory_space<vmem>>, vector<1x16xi32>,
      %mul3A_89 = arith.constant 128 : i32
      %mul3A_90 = arith.muli %scan3A_62, %mul3A_89 : i32
      %add3A_91 = arith.constant 32 : i32
      %add3A_92 = arith.addi %mul3A_90, %add3A_91 : i32
      %get3A_93 = arith.constant 0 : i32
      %get3A_94 = arith.index_cast %get3A_93 : i32 to index
      %get3A_95 = arith.index_cast %add3A_92 : i32 to index
      %get3A_96 = tpu.vector_load %arg7[%get3A_94, %get3A_95] {strides = array<i32>} : memref<2x5120xi32, #tpu.memory_space<vmem>>, vector<1x16xi32>,
      %get3A_97 = vector.shape_cast %get3A_96 : vector<1x16xi32> to vector<16xi32>
      %swap3A_98 = arith.index_cast %scan3A_62 : i32 to index
      %swap3A_99 = arith.constant 32 : index
      %swap3A_100 = tpu.vector_load %arg8[%swap3A_98, %swap3A_99] {strides = array<i32>} : memref<40x128xi32, #tpu.memory_space<vmem>>, vector<1x16xi32>,
      %swap3A_101 = vector.shape_cast %swap3A_100 : vector<1x16xi32> to vector<16xi32>
      %swap3A_102 = vector.shape_cast %get3A_97 : vector<16xi32> to vector<1x16xi32>
      tpu.vector_store %arg8[%swap3A_98, %swap3A_99], %swap3A_102 {strides = array<i32>} : memref<40x128xi32, #tpu.memory_space<vmem>>, vector<1x16xi32>,
      %mul3A_103 = arith.constant 128 : i32
      %mul3A_104 = arith.muli %scan3A_62, %mul3A_103 : i32
      %add3A_105 = arith.constant 48 : i32
      %add3A_106 = arith.addi %mul3A_104, %add3A_105 : i32
      %get3A_107 = arith.constant 0 : i32
      %get3A_108 = arith.index_cast %get3A_107 : i32 to index
      %get3A_109 = arith.index_cast %add3A_106 : i32 to index
      %get3A_110 = tpu.vector_load %arg7[%get3A_108, %get3A_109] {strides = array<i32>} : memref<2x5120xi32, #tpu.memory_space<vmem>>, vector<1x16xi32>,
      %get3A_111 = vector.shape_cast %get3A_110 : vector<1x16xi32> to vector<16xi32>
      %swap3A_112 = arith.index_cast %scan3A_62 : i32 to index
      %swap3A_113 = arith.constant 48 : index
      %swap3A_114 = tpu.vector_load %arg8[%swap3A_112, %swap3A_113] {strides = array<i32>} : memref<40x128xi32, #tpu.memory_space<vmem>>, vector<1x16xi32>,
      %swap3A_115 = vector.shape_cast %swap3A_114 : vector<1x16xi32> to vector<16xi32>
      %swap3A_116 = vector.shape_cast %get3A_111 : vector<16xi32> to vector<1x16xi32>
      tpu.vector_store %arg8[%swap3A_112, %swap3A_113], %swap3A_116 {strides = array<i32>} : memref<40x128xi32, #tpu.memory_space<vmem>>, vector<1x16xi32>,
      %mul3A_117 = arith.constant 128 : i32
      %mul3A_118 = arith.muli %scan3A_62, %mul3A_117 : i32
      %add3A_119 = arith.constant 64 : i32
      %add3A_120 = arith.addi %mul3A_118, %add3A_119 : i32
      %get3A_121 = arith.constant 0 : i32
      %get3A_122 = arith.index_cast %get3A_121 : i32 to index
      %get3A_123 = arith.index_cast %add3A_120 : i32 to index
      %get3A_124 = tpu.vector_load %arg7[%get3A_122, %get3A_123] {strides = array<i32>} : memref<2x5120xi32, #tpu.memory_space<vmem>>, vector<1x16xi32>,
      %get3A_125 = vector.shape_cast %get3A_124 : vector<1x16xi32> to vector<16xi32>
      %swap3A_126 = arith.index_cast %scan3A_62 : i32 to index
      %swap3A_127 = arith.constant 64 : index
      %swap3A_128 = tpu.vector_load %arg8[%swap3A_126, %swap3A_127] {strides = array<i32>} : memref<40x128xi32, #tpu.memory_space<vmem>>, vector<1x16xi32>,
      %swap3A_129 = vector.shape_cast %swap3A_128 : vector<1x16xi32> to vector<16xi32>
      %swap3A_130 = vector.shape_cast %get3A_125 : vector<16xi32> to vector<1x16xi32>
      tpu.vector_store %arg8[%swap3A_126, %swap3A_127], %swap3A_130 {strides = array<i32>} : memref<40x128xi32, #tpu.memory_space<vmem>>, vector<1x16xi32>,
      %mul3A_131 = arith.constant 128 : i32
      %mul3A_132 = arith.muli %scan3A_62, %mul3A_131 : i32
      %add3A_133 = arith.constant 80 : i32
      %add3A_134 = arith.addi %mul3A_132, %add3A_133 : i32
      %get3A_135 = arith.constant 0 : i32
      %get3A_136 = arith.index_cast %get3A_135 : i32 to index
      %get3A_137 = arith.index_cast %add3A_134 : i32 to index
      %get3A_138 = tpu.vector_load %arg7[%get3A_136, %get3A_137] {strides = array<i32>} : memref<2x5120xi32, #tpu.memory_space<vmem>>, vector<1x16xi32>,
      %get3A_139 = vector.shape_cast %get3A_138 : vector<1x16xi32> to vector<16xi32>
      %swap3A_140 = arith.index_cast %scan3A_62 : i32 to index
      %swap3A_141 = arith.constant 80 : index
      %swap3A_142 = tpu.vector_load %arg8[%swap3A_140, %swap3A_141] {strides = array<i32>} : memref<40x128xi32, #tpu.memory_space<vmem>>, vector<1x16xi32>,
      %swap3A_143 = vector.shape_cast %swap3A_142 : vector<1x16xi32> to vector<16xi32>
      %swap3A_144 = vector.shape_cast %get3A_139 : vector<16xi32> to vector<1x16xi32>
      tpu.vector_store %arg8[%swap3A_140, %swap3A_141], %swap3A_144 {strides = array<i32>} : memref<40x128xi32, #tpu.memory_space<vmem>>, vector<1x16xi32>,
      %mul3A_145 = arith.constant 128 : i32
      %mul3A_146 = arith.muli %scan3A_62, %mul3A_145 : i32
      %add3A_147 = arith.constant 96 : i32
      %add3A_148 = arith.addi %mul3A_146, %add3A_147 : i32
      %get3A_149 = arith.constant 0 : i32
      %get3A_150 = arith.index_cast %get3A_149 : i32 to index
      %get3A_151 = arith.index_cast %add3A_148 : i32 to index
      %get3A_152 = tpu.vector_load %arg7[%get3A_150, %get3A_151] {strides = array<i32>} : memref<2x5120xi32, #tpu.memory_space<vmem>>, vector<1x16xi32>,
      %get3A_153 = vector.shape_cast %get3A_152 : vector<1x16xi32> to vector<16xi32>
      %swap3A_154 = arith.index_cast %scan3A_62 : i32 to index
      %swap3A_155 = arith.constant 96 : index
      %swap3A_156 = tpu.vector_load %arg8[%swap3A_154, %swap3A_155] {strides = array<i32>} : memref<40x128xi32, #tpu.memory_space<vmem>>, vector<1x16xi32>,
      %swap3A_157 = vector.shape_cast %swap3A_156 : vector<1x16xi32> to vector<16xi32>
      %swap3A_158 = vector.shape_cast %get3A_153 : vector<16xi32> to vector<1x16xi32>
      tpu.vector_store %arg8[%swap3A_154, %swap3A_155], %swap3A_158 {strides = array<i32>} : memref<40x128xi32, #tpu.memory_space<vmem>>, vector<1x16xi32>,
      %mul3A_159 = arith.constant 128 : i32
      %mul3A_160 = arith.muli %scan3A_62, %mul3A_159 : i32
      %add3A_161 = arith.constant 112 : i32
      %add3A_162 = arith.addi %mul3A_160, %add3A_161 : i32
      %get3A_163 = arith.constant 0 : i32
      %get3A_164 = arith.index_cast %get3A_163 : i32 to index
      %get3A_165 = arith.index_cast %add3A_162 : i32 to index
      %get3A_166 = tpu.vector_load %arg7[%get3A_164, %get3A_165] {strides = array<i32>} : memref<2x5120xi32, #tpu.memory_space<vmem>>, vector<1x16xi32>,
      %get3A_167 = vector.shape_cast %get3A_166 : vector<1x16xi32> to vector<16xi32>
      %swap3A_168 = arith.index_cast %scan3A_62 : i32 to index
      %swap3A_169 = arith.constant 112 : index
      %swap3A_170 = tpu.vector_load %arg8[%swap3A_168, %swap3A_169] {strides = array<i32>} : memref<40x128xi32, #tpu.memory_space<vmem>>, vector<1x16xi32>,
      %swap3A_171 = vector.shape_cast %swap3A_170 : vector<1x16xi32> to vector<16xi32>
      %swap3A_172 = vector.shape_cast %get3A_167 : vector<16xi32> to vector<1x16xi32>
      tpu.vector_store %arg8[%swap3A_168, %swap3A_169], %swap3A_172 {strides = array<i32>} : memref<40x128xi32, #tpu.memory_space<vmem>>, vector<1x16xi32>,
    }
    %scan3A_11 = arith.constant 40 : i32
    %dma_start3A = arith.constant 1 : i32
    %dma_start3A_12 = arith.constant 0 : i32
    %dma_start3A_13 = tpu.memref_slice %arg7[%dma_start3A, %dma_start3A_12] : memref<2x5120xi32, #tpu.memory_space<vmem>> -> memref<1x128xi32, #tpu.memory_space<vmem>>
    %dma_start3A_14 = tpu.memref_squeeze %dma_start3A_13 : memref<1x128xi32, #tpu.memory_space<vmem>> -> memref<128xi32, #tpu.memory_space<vmem>>
    %dma_start3A_15 = arith.constant 0 : i32
    %dma_start3A_16 = arith.constant 0 : i32
    %dma_start3A_17 = tpu.memref_slice %arg4[%dma_start3A_15, %dma_start3A_16] : memref<10000x128xf32, #tpu.memory_space<hbm>> -> memref<10000x128xf32, #tpu.memory_space<hbm>>
    tpu.enqueue_indirect_dma source(%dma_start3A_17 : memref<10000x128xf32, #tpu.memory_space<hbm>>) target(%arg9 : memref<128x128xf32, #tpu.memory_space<vmem>>) offsets(%dma_start3A_14 : memref<128xi32, #tpu.memory_space<vmem>>) semaphore(%arg12 : memref<!tpu.dma_semaphore, #tpu.memory_space<semaphore_mem>>)
    %mul3A_18 = arith.constant 640 : i32
    %mul3A_19 = arith.muli %arg1, %mul3A_18 : i32
    %mul3A_20 = arith.constant 640 : i32
    %mul3A_21 = arith.muli %arg1, %mul3A_20 : i32
    "tpu.region"() ({
      %run_scoped3A = tpu.sem_alloc : memref<!tpu.dma_semaphore, #tpu.memory_space<semaphore_mem>>
      %dma_start3A_62 = arith.constant 0 : i32
      %dma_start3A_63 = tpu.memref_slice %arg11[%mul3A_21, %dma_start3A_62] : memref<10240x128xf32, #tpu.memory_space<vmem_shared>> -> memref<640x128xf32, #tpu.memory_space<vmem_shared>>
      %dma_start3A_64 = arith.constant 0 : i32
      %dma_start3A_65 = tpu.memref_slice %arg5[%mul3A_19, %dma_start3A_64] : memref<10240x128xf32, #tpu.memory_space<hbm>> -> memref<640x128xf32, #tpu.memory_space<hbm>>
      tpu.enqueue_dma source(%dma_start3A_65 : memref<640x128xf32, #tpu.memory_space<hbm>>) target(%dma_start3A_63 : memref<640x128xf32, #tpu.memory_space<vmem_shared>>) target_semaphore(%run_scoped3A : memref<!tpu.dma_semaphore, #tpu.memory_space<semaphore_mem>>)
      %dma_wait3A = arith.constant 0 : i32
      %dma_wait3A_66 = tpu.memref_slice %arg11[%mul3A_21, %dma_wait3A] : memref<10240x128xf32, #tpu.memory_space<vmem_shared>> -> memref<640x128xf32, #tpu.memory_space<vmem_shared>>
      %dma_wait3A_67 = arith.constant 0 : i32
      %dma_wait3A_68 = tpu.memref_slice %arg5[%mul3A_19, %dma_wait3A_67] : memref<10240x128xf32, #tpu.memory_space<hbm>> -> memref<640x128xf32, #tpu.memory_space<hbm>>
      tpu.wait_dma2 semaphore(%run_scoped3A : memref<!tpu.dma_semaphore, #tpu.memory_space<semaphore_mem>>) src(%dma_wait3A_68 : memref<640x128xf32, #tpu.memory_space<hbm>>) dst(%dma_wait3A_66 : memref<640x128xf32, #tpu.memory_space<vmem_shared>>)
      tpu.yield
    }) : () -> ()
    %barrier3A = arith.constant 0 : index
    tpu.barrier barrier_id(%barrier3A)
    %scan3A_22 = arith.constant 0 : i32
    %scan3A_23 = arith.constant 0 : i32
    %scan3A_24 = arith.constant 20 : i32
    %scan3A_25 = arith.addi %scan3A_23, %scan3A_24 : i32
    %scan3A_26 = arith.constant 1 : i32
    scf.for %scan3A_62 = %scan3A_23 to %scan3A_25 step %scan3A_26  : i32 {
      %mul3A_63 = arith.constant 2 : i32
      %mul3A_64 = arith.muli %mul3A_63, %scan3A_62 : i32
      %add3A_65 = arith.constant 1 : i32
      %add3A_66 = arith.addi %mul3A_64, %add3A_65 : i32
      %mul3A_67 = arith.constant 128 : i32
      %mul3A_68 = arith.muli %add3A_66, %mul3A_67 : i32
      %dma_start3A_69 = arith.constant 1 : i32
      %dma_start3A_70 = tpu.memref_slice %arg7[%dma_start3A_69, %mul3A_68] : memref<2x5120xi32, #tpu.memory_space<vmem>> -> memref<1x128xi32, #tpu.memory_space<vmem>>
      %dma_start3A_71 = tpu.memref_squeeze %dma_start3A_70 : memref<1x128xi32, #tpu.memory_space<vmem>> -> memref<128xi32, #tpu.memory_space<vmem>>
      %dma_start3A_72 = arith.constant 0 : i32
      %dma_start3A_73 = arith.constant 0 : i32
      %dma_start3A_74 = tpu.memref_slice %arg4[%dma_start3A_72, %dma_start3A_73] : memref<10000x128xf32, #tpu.memory_space<hbm>> -> memref<10000x128xf32, #tpu.memory_space<hbm>>
      tpu.enqueue_indirect_dma source(%dma_start3A_74 : memref<10000x128xf32, #tpu.memory_space<hbm>>) target(%arg10 : memref<128x128xf32, #tpu.memory_space<vmem>>) offsets(%dma_start3A_71 : memref<128xi32, #tpu.memory_space<vmem>>) semaphore(%arg13 : memref<!tpu.dma_semaphore, #tpu.memory_space<semaphore_mem>>)
      %mul3A_75 = arith.constant 128 : i32
      %mul3A_76 = arith.muli %mul3A_64, %mul3A_75 : i32
      %dma_wait3A = arith.constant 1 : i32
      %dma_wait3A_77 = tpu.memref_slice %arg7[%dma_wait3A, %mul3A_76] : memref<2x5120xi32, #tpu.memory_space<vmem>> -> memref<1x128xi32, #tpu.memory_space<vmem>>
      %dma_wait3A_78 = tpu.memref_squeeze %dma_wait3A_77 : memref<1x128xi32, #tpu.memory_space<vmem>> -> memref<128xi32, #tpu.memory_space<vmem>>
      %dma_wait3A_79 = arith.constant 0 : i32
      %dma_wait3A_80 = arith.constant 0 : i32
      %dma_wait3A_81 = tpu.memref_slice %arg4[%dma_wait3A_79, %dma_wait3A_80] : memref<10000x128xf32, #tpu.memory_space<hbm>> -> memref<10000x128xf32, #tpu.memory_space<hbm>>
      tpu.wait_indirect_dma semaphore(%arg12 : memref<!tpu.dma_semaphore, #tpu.memory_space<semaphore_mem>>) src(%dma_wait3A_81 : memref<10000x128xf32, #tpu.memory_space<hbm>>) dst(%arg9 : memref<128x128xf32, #tpu.memory_space<vmem>>)
      "tpu.region"() ({
        %run_scoped3A = tpu.sem_alloc : memref<!tpu.dma_semaphore, #tpu.memory_space<semaphore_mem>>
        %dma_start3A_97 = arith.constant 0 : i32
        %dma_start3A_98 = tpu.memref_slice %arg8[%mul3A_64, %dma_start3A_97] : memref<40x128xi32, #tpu.memory_space<vmem>> -> memref<1x128xi32, #tpu.memory_space<vmem>>
        %dma_start3A_99 = tpu.memref_squeeze %dma_start3A_98 : memref<1x128xi32, #tpu.memory_space<vmem>> -> memref<128xi32, #tpu.memory_space<vmem>>
        %dma_start3A_100 = arith.constant 0 : i32
        %dma_start3A_101 = arith.constant 0 : i32
        %dma_start3A_102 = tpu.memref_slice %arg11[%dma_start3A_100, %dma_start3A_101] : memref<10240x128xf32, #tpu.memory_space<vmem_shared>> -> memref<10240x128xf32, #tpu.memory_space<vmem_shared>>
        tpu.enqueue_indirect_dma source(%arg9 : memref<128x128xf32, #tpu.memory_space<vmem>>) target(%dma_start3A_102 : memref<10240x128xf32, #tpu.memory_space<vmem_shared>>) offsets(%dma_start3A_99 : memref<128xi32, #tpu.memory_space<vmem>>) semaphore(%run_scoped3A : memref<!tpu.dma_semaphore, #tpu.memory_space<semaphore_mem>>) {add = true}
        %dma_wait3A_103 = arith.constant 0 : i32
        %dma_wait3A_104 = tpu.memref_slice %arg8[%mul3A_64, %dma_wait3A_103] : memref<40x128xi32, #tpu.memory_space<vmem>> -> memref<1x128xi32, #tpu.memory_space<vmem>>
        %dma_wait3A_105 = tpu.memref_squeeze %dma_wait3A_104 : memref<1x128xi32, #tpu.memory_space<vmem>> -> memref<128xi32, #tpu.memory_space<vmem>>
        %dma_wait3A_106 = arith.constant 0 : i32
        %dma_wait3A_107 = arith.constant 0 : i32
        %dma_wait3A_108 = tpu.memref_slice %arg11[%dma_wait3A_106, %dma_wait3A_107] : memref<10240x128xf32, #tpu.memory_space<vmem_shared>> -> memref<10240x128xf32, #tpu.memory_space<vmem_shared>>
        tpu.wait_indirect_dma semaphore(%run_scoped3A : memref<!tpu.dma_semaphore, #tpu.memory_space<semaphore_mem>>) src(%arg9 : memref<128x128xf32, #tpu.memory_space<vmem>>) dst(%dma_wait3A_108 : memref<10240x128xf32, #tpu.memory_space<vmem_shared>>)
        tpu.yield
      }) : () -> ()
      %add3A_82 = arith.constant 2 : i32
      %add3A_83 = arith.addi %mul3A_64, %add3A_82 : i32
      %lt3A_84 = arith.constant 40 : i32
      %lt3A_85 = arith.cmpi slt, %add3A_83, %lt3A_84 : i32
      %convert_element_type3A_86 = arith.extui %lt3A_85 : i1 to i32
      %cond3A_87 = arith.constant 0 : i32
      %cond3A_88 = arith.cmpi ne, %convert_element_type3A_86, %cond3A_87 : i32
      scf.if %cond3A_88 {
        %add3A_97 = arith.constant 2 : i32
        %add3A_98 = arith.addi %mul3A_64, %add3A_97 : i32
        %mul3A_99 = arith.constant 128 : i32
        %mul3A_100 = arith.muli %add3A_98, %mul3A_99 : i32
        %dma_start3A_101 = arith.constant 1 : i32
        %dma_start3A_102 = tpu.memref_slice %arg7[%dma_start3A_101, %mul3A_100] : memref<2x5120xi32, #tpu.memory_space<vmem>> -> memref<1x128xi32, #tpu.memory_space<vmem>>
        %dma_start3A_103 = tpu.memref_squeeze %dma_start3A_102 : memref<1x128xi32, #tpu.memory_space<vmem>> -> memref<128xi32, #tpu.memory_space<vmem>>
        %dma_start3A_104 = arith.constant 0 : i32
        %dma_start3A_105 = arith.constant 0 : i32
        %dma_start3A_106 = tpu.memref_slice %arg4[%dma_start3A_104, %dma_start3A_105] : memref<10000x128xf32, #tpu.memory_space<hbm>> -> memref<10000x128xf32, #tpu.memory_space<hbm>>
        tpu.enqueue_indirect_dma source(%dma_start3A_106 : memref<10000x128xf32, #tpu.memory_space<hbm>>) target(%arg9 : memref<128x128xf32, #tpu.memory_space<vmem>>) offsets(%dma_start3A_103 : memref<128xi32, #tpu.memory_space<vmem>>) semaphore(%arg12 : memref<!tpu.dma_semaphore, #tpu.memory_space<semaphore_mem>>)
      } else {
      }
      %mul3A_89 = arith.constant 128 : i32
      %mul3A_90 = arith.muli %add3A_66, %mul3A_89 : i32
      %dma_wait3A_91 = arith.constant 1 : i32
      %dma_wait3A_92 = tpu.memref_slice %arg7[%dma_wait3A_91, %mul3A_90] : memref<2x5120xi32, #tpu.memory_space<vmem>> -> memref<1x128xi32, #tpu.memory_space<vmem>>
      %dma_wait3A_93 = tpu.memref_squeeze %dma_wait3A_92 : memref<1x128xi32, #tpu.memory_space<vmem>> -> memref<128xi32, #tpu.memory_space<vmem>>
      %dma_wait3A_94 = arith.constant 0 : i32
      %dma_wait3A_95 = arith.constant 0 : i32
      %dma_wait3A_96 = tpu.memref_slice %arg4[%dma_wait3A_94, %dma_wait3A_95] : memref<10000x128xf32, #tpu.memory_space<hbm>> -> memref<10000x128xf32, #tpu.memory_space<hbm>>
      tpu.wait_indirect_dma semaphore(%arg13 : memref<!tpu.dma_semaphore, #tpu.memory_space<semaphore_mem>>) src(%dma_wait3A_96 : memref<10000x128xf32, #tpu.memory_space<hbm>>) dst(%arg10 : memref<128x128xf32, #tpu.memory_space<vmem>>)
      "tpu.region"() ({
        %run_scoped3A = tpu.sem_alloc : memref<!tpu.dma_semaphore, #tpu.memory_space<semaphore_mem>>
        %dma_start3A_97 = arith.constant 0 : i32
        %dma_start3A_98 = tpu.memref_slice %arg8[%add3A_66, %dma_start3A_97] : memref<40x128xi32, #tpu.memory_space<vmem>> -> memref<1x128xi32, #tpu.memory_space<vmem>>
        %dma_start3A_99 = tpu.memref_squeeze %dma_start3A_98 : memref<1x128xi32, #tpu.memory_space<vmem>> -> memref<128xi32, #tpu.memory_space<vmem>>
        %dma_start3A_100 = arith.constant 0 : i32
        %dma_start3A_101 = arith.constant 0 : i32
        %dma_start3A_102 = tpu.memref_slice %arg11[%dma_start3A_100, %dma_start3A_101] : memref<10240x128xf32, #tpu.memory_space<vmem_shared>> -> memref<10240x128xf32, #tpu.memory_space<vmem_shared>>
        tpu.enqueue_indirect_dma source(%arg10 : memref<128x128xf32, #tpu.memory_space<vmem>>) target(%dma_start3A_102 : memref<10240x128xf32, #tpu.memory_space<vmem_shared>>) offsets(%dma_start3A_99 : memref<128xi32, #tpu.memory_space<vmem>>) semaphore(%run_scoped3A : memref<!tpu.dma_semaphore, #tpu.memory_space<semaphore_mem>>) {add = true}
        %dma_wait3A_103 = arith.constant 0 : i32
        %dma_wait3A_104 = tpu.memref_slice %arg8[%add3A_66, %dma_wait3A_103] : memref<40x128xi32, #tpu.memory_space<vmem>> -> memref<1x128xi32, #tpu.memory_space<vmem>>
        %dma_wait3A_105 = tpu.memref_squeeze %dma_wait3A_104 : memref<1x128xi32, #tpu.memory_space<vmem>> -> memref<128xi32, #tpu.memory_space<vmem>>
        %dma_wait3A_106 = arith.constant 0 : i32
        %dma_wait3A_107 = arith.constant 0 : i32
        %dma_wait3A_108 = tpu.memref_slice %arg11[%dma_wait3A_106, %dma_wait3A_107] : memref<10240x128xf32, #tpu.memory_space<vmem_shared>> -> memref<10240x128xf32, #tpu.memory_space<vmem_shared>>
        tpu.wait_indirect_dma semaphore(%run_scoped3A : memref<!tpu.dma_semaphore, #tpu.memory_space<semaphore_mem>>) src(%arg10 : memref<128x128xf32, #tpu.memory_space<vmem>>) dst(%dma_wait3A_108 : memref<10240x128xf32, #tpu.memory_space<vmem_shared>>)
        tpu.yield
      }) : () -> ()
    }
    %scan3A_27 = arith.constant 20 : i32
    %lt3A_28 = arith.constant 31 : i32
    %lt3A_29 = arith.cmpi slt, %add3A, %lt3A_28 : i32
    %convert_element_type3A_30 = arith.extui %lt3A_29 : i1 to i32
    %cond3A_31 = arith.constant 0 : i32
    %cond3A_32 = arith.cmpi ne, %convert_element_type3A_30, %cond3A_31 : i32
    scf.if %cond3A_32 {
      %mul3A_62 = arith.constant 10240 : i32
      %mul3A_63 = arith.muli %add3A, %mul3A_62 : i32
      %add3A_64 = arith.constant 5120 : i32
      %add3A_65 = arith.addi %mul3A_63, %add3A_64 : i32
      "tpu.region"() ({
        %run_scoped3A = tpu.sem_alloc : memref<!tpu.dma_semaphore, #tpu.memory_space<semaphore_mem>>
        %dma_start3A_66 = arith.constant 0 : i32
        %dma_start3A_67 = tpu.memref_slice %arg2[%dma_start3A_66, %add3A_65] : memref<2x320000xi32, #tpu.memory_space<hbm>> -> memref<2x5120xi32, #tpu.memory_space<hbm>>
        %dma_start3A_68 = arith.constant 0 : i32
        %dma_start3A_69 = tpu.memref_slice %arg2[%dma_start3A_68, %add3A_65] : memref<2x320000xi32, #tpu.memory_space<hbm>> -> memref<2x5120xi32, #tpu.memory_space<hbm>>
        tpu.enqueue_dma source(%dma_start3A_69 : memref<2x5120xi32, #tpu.memory_space<hbm>>) target(%arg7 : memref<2x5120xi32, #tpu.memory_space<vmem>>) target_semaphore(%run_scoped3A : memref<!tpu.dma_semaphore, #tpu.memory_space<semaphore_mem>>)
        %dma_wait3A = arith.constant 0 : i32
        %dma_wait3A_70 = tpu.memref_slice %arg2[%dma_wait3A, %add3A_65] : memref<2x320000xi32, #tpu.memory_space<hbm>> -> memref<2x5120xi32, #tpu.memory_space<hbm>>
        %dma_wait3A_71 = arith.constant 0 : i32
        %dma_wait3A_72 = tpu.memref_slice %arg2[%dma_wait3A_71, %add3A_65] : memref<2x320000xi32, #tpu.memory_space<hbm>> -> memref<2x5120xi32, #tpu.memory_space<hbm>>
        tpu.wait_dma2 semaphore(%run_scoped3A : memref<!tpu.dma_semaphore, #tpu.memory_space<semaphore_mem>>) src(%dma_wait3A_72 : memref<2x5120xi32, #tpu.memory_space<hbm>>) dst(%arg7 : memref<2x5120xi32, #tpu.memory_space<vmem>>)
        tpu.yield
      }) : () -> ()
    } else {
    }
    %eq3A_33 = arith.constant 31 : i32
    %eq3A_34 = arith.cmpi eq, %add3A, %eq3A_33 : i32
    %convert_element_type3A_35 = arith.extui %eq3A_34 : i1 to i32
    %cond3A_36 = arith.constant 0 : i32
    %cond3A_37 = arith.cmpi ne, %convert_element_type3A_35, %cond3A_36 : i32
    scf.if %cond3A_37 {
      "tpu.region"() ({
        %run_scoped3A = tpu.sem_alloc : memref<!tpu.dma_semaphore, #tpu.memory_space<semaphore_mem>>
        %dma_start3A_62 = arith.constant 0 : i32
        %dma_start3A_63 = arith.constant 2560 : i32
        %dma_start3A_64 = tpu.memref_slice %arg3[%dma_start3A_62, %dma_start3A_63] : memref<2x7680xi32, #tpu.memory_space<hbm>> -> memref<2x5120xi32, #tpu.memory_space<hbm>>
        %dma_start3A_65 = arith.constant 0 : i32
        %dma_start3A_66 = arith.constant 2560 : i32
        %dma_start3A_67 = tpu.memref_slice %arg3[%dma_start3A_65, %dma_start3A_66] : memref<2x7680xi32, #tpu.memory_space<hbm>> -> memref<2x5120xi32, #tpu.memory_space<hbm>>
        tpu.enqueue_dma source(%dma_start3A_67 : memref<2x5120xi32, #tpu.memory_space<hbm>>) target(%arg7 : memref<2x5120xi32, #tpu.memory_space<vmem>>) target_semaphore(%run_scoped3A : memref<!tpu.dma_semaphore, #tpu.memory_space<semaphore_mem>>)
        %dma_wait3A = arith.constant 0 : i32
        %dma_wait3A_68 = arith.constant 2560 : i32
        %dma_wait3A_69 = tpu.memref_slice %arg3[%dma_wait3A, %dma_wait3A_68] : memref<2x7680xi32, #tpu.memory_space<hbm>> -> memref<2x5120xi32, #tpu.memory_space<hbm>>
        %dma_wait3A_70 = arith.constant 0 : i32
        %dma_wait3A_71 = arith.constant 2560 : i32
        %dma_wait3A_72 = tpu.memref_slice %arg3[%dma_wait3A_70, %dma_wait3A_71] : memref<2x7680xi32, #tpu.memory_space<hbm>> -> memref<2x5120xi32, #tpu.memory_space<hbm>>
        tpu.wait_dma2 semaphore(%run_scoped3A : memref<!tpu.dma_semaphore, #tpu.memory_space<semaphore_mem>>) src(%dma_wait3A_72 : memref<2x5120xi32, #tpu.memory_space<hbm>>) dst(%arg7 : memref<2x5120xi32, #tpu.memory_space<vmem>>)
        tpu.yield
      }) : () -> ()
    } else {
    }
    %scan3A_38 = arith.constant 0 : i32
    %scan3A_39 = arith.constant 0 : i32
    %scan3A_40 = arith.constant 40 : i32
    %scan3A_41 = arith.addi %scan3A_39, %scan3A_40 : i32
    %scan3A_42 = arith.constant 1 : i32
    scf.for %scan3A_62 = %scan3A_39 to %scan3A_41 step %scan3A_42  : i32 {
      %mul3A_63 = arith.constant 128 : i32
      %mul3A_64 = arith.muli %scan3A_62, %mul3A_63 : i32
      %add3A_65 = arith.constant 0 : i32
      %add3A_66 = arith.addi %mul3A_64, %add3A_65 : i32
      %get3A = arith.constant 0 : i32
      %get3A_67 = arith.index_cast %get3A : i32 to index
      %get3A_68 = arith.index_cast %add3A_66 : i32 to index
      %get3A_69 = tpu.vector_load %arg7[%get3A_67, %get3A_68] {strides = array<i32>} : memref<2x5120xi32, #tpu.memory_space<vmem>>, vector<1x16xi32>,
      %get3A_70 = vector.shape_cast %get3A_69 : vector<1x16xi32> to vector<16xi32>
      %swap3A = arith.index_cast %scan3A_62 : i32 to index
      %swap3A_71 = arith.constant 0 : index
      %swap3A_72 = tpu.vector_load %arg8[%swap3A, %swap3A_71] {strides = array<i32>} : memref<40x128xi32, #tpu.memory_space<vmem>>, vector<1x16xi32>,
      %swap3A_73 = vector.shape_cast %swap3A_72 : vector<1x16xi32> to vector<16xi32>
      %swap3A_74 = vector.shape_cast %get3A_70 : vector<16xi32> to vector<1x16xi32>
      tpu.vector_store %arg8[%swap3A, %swap3A_71], %swap3A_74 {strides = array<i32>} : memref<40x128xi32, #tpu.memory_space<vmem>>, vector<1x16xi32>,
      %mul3A_75 = arith.constant 128 : i32
      %mul3A_76 = arith.muli %scan3A_62, %mul3A_75 : i32
      %add3A_77 = arith.constant 16 : i32
      %add3A_78 = arith.addi %mul3A_76, %add3A_77 : i32
      %get3A_79 = arith.constant 0 : i32
      %get3A_80 = arith.index_cast %get3A_79 : i32 to index
      %get3A_81 = arith.index_cast %add3A_78 : i32 to index
      %get3A_82 = tpu.vector_load %arg7[%get3A_80, %get3A_81] {strides = array<i32>} : memref<2x5120xi32, #tpu.memory_space<vmem>>, vector<1x16xi32>,
      %get3A_83 = vector.shape_cast %get3A_82 : vector<1x16xi32> to vector<16xi32>
      %swap3A_84 = arith.index_cast %scan3A_62 : i32 to index
      %swap3A_85 = arith.constant 16 : index
      %swap3A_86 = tpu.vector_load %arg8[%swap3A_84, %swap3A_85] {strides = array<i32>} : memref<40x128xi32, #tpu.memory_space<vmem>>, vector<1x16xi32>,
      %swap3A_87 = vector.shape_cast %swap3A_86 : vector<1x16xi32> to vector<16xi32>
      %swap3A_88 = vector.shape_cast %get3A_83 : vector<16xi32> to vector<1x16xi32>
      tpu.vector_store %arg8[%swap3A_84, %swap3A_85], %swap3A_88 {strides = array<i32>} : memref<40x128xi32, #tpu.memory_space<vmem>>, vector<1x16xi32>,
      %mul3A_89 = arith.constant 128 : i32
      %mul3A_90 = arith.muli %scan3A_62, %mul3A_89 : i32
      %add3A_91 = arith.constant 32 : i32
      %add3A_92 = arith.addi %mul3A_90, %add3A_91 : i32
      %get3A_93 = arith.constant 0 : i32
      %get3A_94 = arith.index_cast %get3A_93 : i32 to index
      %get3A_95 = arith.index_cast %add3A_92 : i32 to index
      %get3A_96 = tpu.vector_load %arg7[%get3A_94, %get3A_95] {strides = array<i32>} : memref<2x5120xi32, #tpu.memory_space<vmem>>, vector<1x16xi32>,
      %get3A_97 = vector.shape_cast %get3A_96 : vector<1x16xi32> to vector<16xi32>
      %swap3A_98 = arith.index_cast %scan3A_62 : i32 to index
      %swap3A_99 = arith.constant 32 : index
      %swap3A_100 = tpu.vector_load %arg8[%swap3A_98, %swap3A_99] {strides = array<i32>} : memref<40x128xi32, #tpu.memory_space<vmem>>, vector<1x16xi32>,
      %swap3A_101 = vector.shape_cast %swap3A_100 : vector<1x16xi32> to vector<16xi32>
      %swap3A_102 = vector.shape_cast %get3A_97 : vector<16xi32> to vector<1x16xi32>
      tpu.vector_store %arg8[%swap3A_98, %swap3A_99], %swap3A_102 {strides = array<i32>} : memref<40x128xi32, #tpu.memory_space<vmem>>, vector<1x16xi32>,
      %mul3A_103 = arith.constant 128 : i32
      %mul3A_104 = arith.muli %scan3A_62, %mul3A_103 : i32
      %add3A_105 = arith.constant 48 : i32
      %add3A_106 = arith.addi %mul3A_104, %add3A_105 : i32
      %get3A_107 = arith.constant 0 : i32
      %get3A_108 = arith.index_cast %get3A_107 : i32 to index
      %get3A_109 = arith.index_cast %add3A_106 : i32 to index
      %get3A_110 = tpu.vector_load %arg7[%get3A_108, %get3A_109] {strides = array<i32>} : memref<2x5120xi32, #tpu.memory_space<vmem>>, vector<1x16xi32>,
      %get3A_111 = vector.shape_cast %get3A_110 : vector<1x16xi32> to vector<16xi32>
      %swap3A_112 = arith.index_cast %scan3A_62 : i32 to index
      %swap3A_113 = arith.constant 48 : index
      %swap3A_114 = tpu.vector_load %arg8[%swap3A_112, %swap3A_113] {strides = array<i32>} : memref<40x128xi32, #tpu.memory_space<vmem>>, vector<1x16xi32>,
      %swap3A_115 = vector.shape_cast %swap3A_114 : vector<1x16xi32> to vector<16xi32>
      %swap3A_116 = vector.shape_cast %get3A_111 : vector<16xi32> to vector<1x16xi32>
      tpu.vector_store %arg8[%swap3A_112, %swap3A_113], %swap3A_116 {strides = array<i32>} : memref<40x128xi32, #tpu.memory_space<vmem>>, vector<1x16xi32>,
      %mul3A_117 = arith.constant 128 : i32
      %mul3A_118 = arith.muli %scan3A_62, %mul3A_117 : i32
      %add3A_119 = arith.constant 64 : i32
      %add3A_120 = arith.addi %mul3A_118, %add3A_119 : i32
      %get3A_121 = arith.constant 0 : i32
      %get3A_122 = arith.index_cast %get3A_121 : i32 to index
      %get3A_123 = arith.index_cast %add3A_120 : i32 to index
      %get3A_124 = tpu.vector_load %arg7[%get3A_122, %get3A_123] {strides = array<i32>} : memref<2x5120xi32, #tpu.memory_space<vmem>>, vector<1x16xi32>,
      %get3A_125 = vector.shape_cast %get3A_124 : vector<1x16xi32> to vector<16xi32>
      %swap3A_126 = arith.index_cast %scan3A_62 : i32 to index
      %swap3A_127 = arith.constant 64 : index
      %swap3A_128 = tpu.vector_load %arg8[%swap3A_126, %swap3A_127] {strides = array<i32>} : memref<40x128xi32, #tpu.memory_space<vmem>>, vector<1x16xi32>,
      %swap3A_129 = vector.shape_cast %swap3A_128 : vector<1x16xi32> to vector<16xi32>
      %swap3A_130 = vector.shape_cast %get3A_125 : vector<16xi32> to vector<1x16xi32>
      tpu.vector_store %arg8[%swap3A_126, %swap3A_127], %swap3A_130 {strides = array<i32>} : memref<40x128xi32, #tpu.memory_space<vmem>>, vector<1x16xi32>,
      %mul3A_131 = arith.constant 128 : i32
      %mul3A_132 = arith.muli %scan3A_62, %mul3A_131 : i32
      %add3A_133 = arith.constant 80 : i32
      %add3A_134 = arith.addi %mul3A_132, %add3A_133 : i32
      %get3A_135 = arith.constant 0 : i32
      %get3A_136 = arith.index_cast %get3A_135 : i32 to index
      %get3A_137 = arith.index_cast %add3A_134 : i32 to index
      %get3A_138 = tpu.vector_load %arg7[%get3A_136, %get3A_137] {strides = array<i32>} : memref<2x5120xi32, #tpu.memory_space<vmem>>, vector<1x16xi32>,
      %get3A_139 = vector.shape_cast %get3A_138 : vector<1x16xi32> to vector<16xi32>
      %swap3A_140 = arith.index_cast %scan3A_62 : i32 to index
      %swap3A_141 = arith.constant 80 : index
      %swap3A_142 = tpu.vector_load %arg8[%swap3A_140, %swap3A_141] {strides = array<i32>} : memref<40x128xi32, #tpu.memory_space<vmem>>, vector<1x16xi32>,
      %swap3A_143 = vector.shape_cast %swap3A_142 : vector<1x16xi32> to vector<16xi32>
      %swap3A_144 = vector.shape_cast %get3A_139 : vector<16xi32> to vector<1x16xi32>
      tpu.vector_store %arg8[%swap3A_140, %swap3A_141], %swap3A_144 {strides = array<i32>} : memref<40x128xi32, #tpu.memory_space<vmem>>, vector<1x16xi32>,
      %mul3A_145 = arith.constant 128 : i32
      %mul3A_146 = arith.muli %scan3A_62, %mul3A_145 : i32
      %add3A_147 = arith.constant 96 : i32
      %add3A_148 = arith.addi %mul3A_146, %add3A_147 : i32
      %get3A_149 = arith.constant 0 : i32
      %get3A_150 = arith.index_cast %get3A_149 : i32 to index
      %get3A_151 = arith.index_cast %add3A_148 : i32 to index
      %get3A_152 = tpu.vector_load %arg7[%get3A_150, %get3A_151] {strides = array<i32>} : memref<2x5120xi32, #tpu.memory_space<vmem>>, vector<1x16xi32>,
      %get3A_153 = vector.shape_cast %get3A_152 : vector<1x16xi32> to vector<16xi32>
      %swap3A_154 = arith.index_cast %scan3A_62 : i32 to index
      %swap3A_155 = arith.constant 96 : index
      %swap3A_156 = tpu.vector_load %arg8[%swap3A_154, %swap3A_155] {strides = array<i32>} : memref<40x128xi32, #tpu.memory_space<vmem>>, vector<1x16xi32>,
      %swap3A_157 = vector.shape_cast %swap3A_156 : vector<1x16xi32> to vector<16xi32>
      %swap3A_158 = vector.shape_cast %get3A_153 : vector<16xi32> to vector<1x16xi32>
      tpu.vector_store %arg8[%swap3A_154, %swap3A_155], %swap3A_158 {strides = array<i32>} : memref<40x128xi32, #tpu.memory_space<vmem>>, vector<1x16xi32>,
      %mul3A_159 = arith.constant 128 : i32
      %mul3A_160 = arith.muli %scan3A_62, %mul3A_159 : i32
      %add3A_161 = arith.constant 112 : i32
      %add3A_162 = arith.addi %mul3A_160, %add3A_161 : i32
      %get3A_163 = arith.constant 0 : i32
      %get3A_164 = arith.index_cast %get3A_163 : i32 to index
      %get3A_165 = arith.index_cast %add3A_162 : i32 to index
      %get3A_166 = tpu.vector_load %arg7[%get3A_164, %get3A_165] {strides = array<i32>} : memref<2x5120xi32, #tpu.memory_space<vmem>>, vector<1x16xi32>,
      %get3A_167 = vector.shape_cast %get3A_166 : vector<1x16xi32> to vector<16xi32>
      %swap3A_168 = arith.index_cast %scan3A_62 : i32 to index
      %swap3A_169 = arith.constant 112 : index
      %swap3A_170 = tpu.vector_load %arg8[%swap3A_168, %swap3A_169] {strides = array<i32>} : memref<40x128xi32, #tpu.memory_space<vmem>>, vector<1x16xi32>,
      %swap3A_171 = vector.shape_cast %swap3A_170 : vector<1x16xi32> to vector<16xi32>
      %swap3A_172 = vector.shape_cast %get3A_167 : vector<16xi32> to vector<1x16xi32>
      tpu.vector_store %arg8[%swap3A_168, %swap3A_169], %swap3A_172 {strides = array<i32>} : memref<40x128xi32, #tpu.memory_space<vmem>>, vector<1x16xi32>,
    }
    %scan3A_43 = arith.constant 40 : i32
    %dma_start3A_44 = arith.constant 1 : i32
    %dma_start3A_45 = arith.constant 0 : i32
    %dma_start3A_46 = tpu.memref_slice %arg7[%dma_start3A_44, %dma_start3A_45] : memref<2x5120xi32, #tpu.memory_space<vmem>> -> memref<1x128xi32, #tpu.memory_space<vmem>>
    %dma_start3A_47 = tpu.memref_squeeze %dma_start3A_46 : memref<1x128xi32, #tpu.memory_space<vmem>> -> memref<128xi32, #tpu.memory_space<vmem>>
    %dma_start3A_48 = arith.constant 0 : i32
    %dma_start3A_49 = arith.constant 0 : i32
    %dma_start3A_50 = tpu.memref_slice %arg4[%dma_start3A_48, %dma_start3A_49] : memref<10000x128xf32, #tpu.memory_space<hbm>> -> memref<10000x128xf32, #tpu.memory_space<hbm>>
    tpu.enqueue_indirect_dma source(%dma_start3A_50 : memref<10000x128xf32, #tpu.memory_space<hbm>>) target(%arg9 : memref<128x128xf32, #tpu.memory_space<vmem>>) offsets(%dma_start3A_47 : memref<128xi32, #tpu.memory_space<vmem>>) semaphore(%arg12 : memref<!tpu.dma_semaphore, #tpu.memory_space<semaphore_mem>>)
    %scan3A_51 = arith.constant 0 : i32
    %scan3A_52 = arith.constant 0 : i32
    %scan3A_53 = arith.constant 20 : i32
    %scan3A_54 = arith.addi %scan3A_52, %scan3A_53 : i32
    %scan3A_55 = arith.constant 1 : i32
    scf.for %scan3A_62 = %scan3A_52 to %scan3A_54 step %scan3A_55  : i32 {
      %mul3A_63 = arith.constant 2 : i32
      %mul3A_64 = arith.muli %mul3A_63, %scan3A_62 : i32
      %add3A_65 = arith.constant 1 : i32
      %add3A_66 = arith.addi %mul3A_64, %add3A_65 : i32
      %mul3A_67 = arith.constant 128 : i32
      %mul3A_68 = arith.muli %add3A_66, %mul3A_67 : i32
      %dma_start3A_69 = arith.constant 1 : i32
      %dma_start3A_70 = tpu.memref_slice %arg7[%dma_start3A_69, %mul3A_68] : memref<2x5120xi32, #tpu.memory_space<vmem>> -> memref<1x128xi32, #tpu.memory_space<vmem>>
      %dma_start3A_71 = tpu.memref_squeeze %dma_start3A_70 : memref<1x128xi32, #tpu.memory_space<vmem>> -> memref<128xi32, #tpu.memory_space<vmem>>
      %dma_start3A_72 = arith.constant 0 : i32
      %dma_start3A_73 = arith.constant 0 : i32
      %dma_start3A_74 = tpu.memref_slice %arg4[%dma_start3A_72, %dma_start3A_73] : memref<10000x128xf32, #tpu.memory_space<hbm>> -> memref<10000x128xf32, #tpu.memory_space<hbm>>
      tpu.enqueue_indirect_dma source(%dma_start3A_74 : memref<10000x128xf32, #tpu.memory_space<hbm>>) target(%arg10 : memref<128x128xf32, #tpu.memory_space<vmem>>) offsets(%dma_start3A_71 : memref<128xi32, #tpu.memory_space<vmem>>) semaphore(%arg13 : memref<!tpu.dma_semaphore, #tpu.memory_space<semaphore_mem>>)
      %mul3A_75 = arith.constant 128 : i32
      %mul3A_76 = arith.muli %mul3A_64, %mul3A_75 : i32
      %dma_wait3A = arith.constant 1 : i32
      %dma_wait3A_77 = tpu.memref_slice %arg7[%dma_wait3A, %mul3A_76] : memref<2x5120xi32, #tpu.memory_space<vmem>> -> memref<1x128xi32, #tpu.memory_space<vmem>>
      %dma_wait3A_78 = tpu.memref_squeeze %dma_wait3A_77 : memref<1x128xi32, #tpu.memory_space<vmem>> -> memref<128xi32, #tpu.memory_space<vmem>>
      %dma_wait3A_79 = arith.constant 0 : i32
      %dma_wait3A_80 = arith.constant 0 : i32
      %dma_wait3A_81 = tpu.memref_slice %arg4[%dma_wait3A_79, %dma_wait3A_80] : memref<10000x128xf32, #tpu.memory_space<hbm>> -> memref<10000x128xf32, #tpu.memory_space<hbm>>
      tpu.wait_indirect_dma semaphore(%arg12 : memref<!tpu.dma_semaphore, #tpu.memory_space<semaphore_mem>>) src(%dma_wait3A_81 : memref<10000x128xf32, #tpu.memory_space<hbm>>) dst(%arg9 : memref<128x128xf32, #tpu.memory_space<vmem>>)
      "tpu.region"() ({
        %run_scoped3A = tpu.sem_alloc : memref<!tpu.dma_semaphore, #tpu.memory_space<semaphore_mem>>
        %dma_start3A_97 = arith.constant 0 : i32
        %dma_start3A_98 = tpu.memref_slice %arg8[%mul3A_64, %dma_start3A_97] : memref<40x128xi32, #tpu.memory_space<vmem>> -> memref<1x128xi32, #tpu.memory_space<vmem>>
        %dma_start3A_99 = tpu.memref_squeeze %dma_start3A_98 : memref<1x128xi32, #tpu.memory_space<vmem>> -> memref<128xi32, #tpu.memory_space<vmem>>
        %dma_start3A_100 = arith.constant 0 : i32
        %dma_start3A_101 = arith.constant 0 : i32
        %dma_start3A_102 = tpu.memref_slice %arg11[%dma_start3A_100, %dma_start3A_101] : memref<10240x128xf32, #tpu.memory_space<vmem_shared>> -> memref<10240x128xf32, #tpu.memory_space<vmem_shared>>
        tpu.enqueue_indirect_dma source(%arg9 : memref<128x128xf32, #tpu.memory_space<vmem>>) target(%dma_start3A_102 : memref<10240x128xf32, #tpu.memory_space<vmem_shared>>) offsets(%dma_start3A_99 : memref<128xi32, #tpu.memory_space<vmem>>) semaphore(%run_scoped3A : memref<!tpu.dma_semaphore, #tpu.memory_space<semaphore_mem>>) {add = true}
        %dma_wait3A_103 = arith.constant 0 : i32
        %dma_wait3A_104 = tpu.memref_slice %arg8[%mul3A_64, %dma_wait3A_103] : memref<40x128xi32, #tpu.memory_space<vmem>> -> memref<1x128xi32, #tpu.memory_space<vmem>>
        %dma_wait3A_105 = tpu.memref_squeeze %dma_wait3A_104 : memref<1x128xi32, #tpu.memory_space<vmem>> -> memref<128xi32, #tpu.memory_space<vmem>>
        %dma_wait3A_106 = arith.constant 0 : i32
        %dma_wait3A_107 = arith.constant 0 : i32
        %dma_wait3A_108 = tpu.memref_slice %arg11[%dma_wait3A_106, %dma_wait3A_107] : memref<10240x128xf32, #tpu.memory_space<vmem_shared>> -> memref<10240x128xf32, #tpu.memory_space<vmem_shared>>
        tpu.wait_indirect_dma semaphore(%run_scoped3A : memref<!tpu.dma_semaphore, #tpu.memory_space<semaphore_mem>>) src(%arg9 : memref<128x128xf32, #tpu.memory_space<vmem>>) dst(%dma_wait3A_108 : memref<10240x128xf32, #tpu.memory_space<vmem_shared>>)
        tpu.yield
      }) : () -> ()
      %add3A_82 = arith.constant 2 : i32
      %add3A_83 = arith.addi %mul3A_64, %add3A_82 : i32
      %lt3A_84 = arith.constant 40 : i32
      %lt3A_85 = arith.cmpi slt, %add3A_83, %lt3A_84 : i32
      %convert_element_type3A_86 = arith.extui %lt3A_85 : i1 to i32
      %cond3A_87 = arith.constant 0 : i32
      %cond3A_88 = arith.cmpi ne, %convert_element_type3A_86, %cond3A_87 : i32
      scf.if %cond3A_88 {
        %add3A_97 = arith.constant 2 : i32
        %add3A_98 = arith.addi %mul3A_64, %add3A_97 : i32
        %mul3A_99 = arith.constant 128 : i32
        %mul3A_100 = arith.muli %add3A_98, %mul3A_99 : i32
        %dma_start3A_101 = arith.constant 1 : i32
        %dma_start3A_102 = tpu.memref_slice %arg7[%dma_start3A_101, %mul3A_100] : memref<2x5120xi32, #tpu.memory_space<vmem>> -> memref<1x128xi32, #tpu.memory_space<vmem>>
        %dma_start3A_103 = tpu.memref_squeeze %dma_start3A_102 : memref<1x128xi32, #tpu.memory_space<vmem>> -> memref<128xi32, #tpu.memory_space<vmem>>
        %dma_start3A_104 = arith.constant 0 : i32
        %dma_start3A_105 = arith.constant 0 : i32
        %dma_start3A_106 = tpu.memref_slice %arg4[%dma_start3A_104, %dma_start3A_105] : memref<10000x128xf32, #tpu.memory_space<hbm>> -> memref<10000x128xf32, #tpu.memory_space<hbm>>
        tpu.enqueue_indirect_dma source(%dma_start3A_106 : memref<10000x128xf32, #tpu.memory_space<hbm>>) target(%arg9 : memref<128x128xf32, #tpu.memory_space<vmem>>) offsets(%dma_start3A_103 : memref<128xi32, #tpu.memory_space<vmem>>) semaphore(%arg12 : memref<!tpu.dma_semaphore, #tpu.memory_space<semaphore_mem>>)
      } else {
      }
      %mul3A_89 = arith.constant 128 : i32
      %mul3A_90 = arith.muli %add3A_66, %mul3A_89 : i32
      %dma_wait3A_91 = arith.constant 1 : i32
      %dma_wait3A_92 = tpu.memref_slice %arg7[%dma_wait3A_91, %mul3A_90] : memref<2x5120xi32, #tpu.memory_space<vmem>> -> memref<1x128xi32, #tpu.memory_space<vmem>>
      %dma_wait3A_93 = tpu.memref_squeeze %dma_wait3A_92 : memref<1x128xi32, #tpu.memory_space<vmem>> -> memref<128xi32, #tpu.memory_space<vmem>>
      %dma_wait3A_94 = arith.constant 0 : i32
      %dma_wait3A_95 = arith.constant 0 : i32
      %dma_wait3A_96 = tpu.memref_slice %arg4[%dma_wait3A_94, %dma_wait3A_95] : memref<10000x128xf32, #tpu.memory_space<hbm>> -> memref<10000x128xf32, #tpu.memory_space<hbm>>
      tpu.wait_indirect_dma semaphore(%arg13 : memref<!tpu.dma_semaphore, #tpu.memory_space<semaphore_mem>>) src(%dma_wait3A_96 : memref<10000x128xf32, #tpu.memory_space<hbm>>) dst(%arg10 : memref<128x128xf32, #tpu.memory_space<vmem>>)
      "tpu.region"() ({
        %run_scoped3A = tpu.sem_alloc : memref<!tpu.dma_semaphore, #tpu.memory_space<semaphore_mem>>
        %dma_start3A_97 = arith.constant 0 : i32
        %dma_start3A_98 = tpu.memref_slice %arg8[%add3A_66, %dma_start3A_97] : memref<40x128xi32, #tpu.memory_space<vmem>> -> memref<1x128xi32, #tpu.memory_space<vmem>>
        %dma_start3A_99 = tpu.memref_squeeze %dma_start3A_98 : memref<1x128xi32, #tpu.memory_space<vmem>> -> memref<128xi32, #tpu.memory_space<vmem>>
        %dma_start3A_100 = arith.constant 0 : i32
        %dma_start3A_101 = arith.constant 0 : i32
        %dma_start3A_102 = tpu.memref_slice %arg11[%dma_start3A_100, %dma_start3A_101] : memref<10240x128xf32, #tpu.memory_space<vmem_shared>> -> memref<10240x128xf32, #tpu.memory_space<vmem_shared>>
        tpu.enqueue_indirect_dma source(%arg10 : memref<128x128xf32, #tpu.memory_space<vmem>>) target(%dma_start3A_102 : memref<10240x128xf32, #tpu.memory_space<vmem_shared>>) offsets(%dma_start3A_99 : memref<128xi32, #tpu.memory_space<vmem>>) semaphore(%run_scoped3A : memref<!tpu.dma_semaphore, #tpu.memory_space<semaphore_mem>>) {add = true}
        %dma_wait3A_103 = arith.constant 0 : i32
        %dma_wait3A_104 = tpu.memref_slice %arg8[%add3A_66, %dma_wait3A_103] : memref<40x128xi32, #tpu.memory_space<vmem>> -> memref<1x128xi32, #tpu.memory_space<vmem>>
        %dma_wait3A_105 = tpu.memref_squeeze %dma_wait3A_104 : memref<1x128xi32, #tpu.memory_space<vmem>> -> memref<128xi32, #tpu.memory_space<vmem>>
        %dma_wait3A_106 = arith.constant 0 : i32
        %dma_wait3A_107 = arith.constant 0 : i32
        %dma_wait3A_108 = tpu.memref_slice %arg11[%dma_wait3A_106, %dma_wait3A_107] : memref<10240x128xf32, #tpu.memory_space<vmem_shared>> -> memref<10240x128xf32, #tpu.memory_space<vmem_shared>>
        tpu.wait_indirect_dma semaphore(%run_scoped3A : memref<!tpu.dma_semaphore, #tpu.memory_space<semaphore_mem>>) src(%arg10 : memref<128x128xf32, #tpu.memory_space<vmem>>) dst(%dma_wait3A_108 : memref<10240x128xf32, #tpu.memory_space<vmem_shared>>)
        tpu.yield
      }) : () -> ()
    }
    %scan3A_56 = arith.constant 20 : i32
    %barrier3A_57 = arith.constant 0 : index
    tpu.barrier barrier_id(%barrier3A_57)
    %mul3A_58 = arith.constant 640 : i32
    %mul3A_59 = arith.muli %arg1, %mul3A_58 : i32
    %mul3A_60 = arith.constant 640 : i32
    %mul3A_61 = arith.muli %arg1, %mul3A_60 : i32
    "tpu.region"() ({
      %run_scoped3A = tpu.sem_alloc : memref<!tpu.dma_semaphore, #tpu.memory_space<semaphore_mem>>
      %dma_start3A_62 = arith.constant 0 : i32
      %dma_start3A_63 = tpu.memref_slice %arg6[%arg0, %mul3A_61, %dma_start3A_62] : memref<2x10240x128xf32, #tpu.memory_space<hbm>> -> memref<1x640x128xf32, #tpu.memory_space<hbm>>
      %dma_start3A_64 = tpu.memref_squeeze %dma_start3A_63 : memref<1x640x128xf32, #tpu.memory_space<hbm>> -> memref<640x128xf32, #tpu.memory_space<hbm>>
      %dma_start3A_65 = arith.constant 0 : i32
      %dma_start3A_66 = tpu.memref_slice %arg11[%mul3A_59, %dma_start3A_65] : memref<10240x128xf32, #tpu.memory_space<vmem_shared>> -> memref<640x128xf32, #tpu.memory_space<vmem_shared>>
      tpu.enqueue_dma source(%dma_start3A_66 : memref<640x128xf32, #tpu.memory_space<vmem_shared>>) target(%dma_start3A_64 : memref<640x128xf32, #tpu.memory_space<hbm>>) target_semaphore(%run_scoped3A : memref<!tpu.dma_semaphore, #tpu.memory_space<semaphore_mem>>)
      %dma_wait3A = arith.constant 0 : i32
      %dma_wait3A_67 = tpu.memref_slice %arg6[%arg0, %mul3A_61, %dma_wait3A] : memref<2x10240x128xf32, #tpu.memory_space<hbm>> -> memref<1x640x128xf32, #tpu.memory_space<hbm>>
      %dma_wait3A_68 = tpu.memref_squeeze %dma_wait3A_67 : memref<1x640x128xf32, #tpu.memory_space<hbm>> -> memref<640x128xf32, #tpu.memory_space<hbm>>
      %dma_wait3A_69 = arith.constant 0 : i32
      %dma_wait3A_70 = tpu.memref_slice %arg11[%mul3A_59, %dma_wait3A_69] : memref<10240x128xf32, #tpu.memory_space<vmem_shared>> -> memref<640x128xf32, #tpu.memory_space<vmem_shared>>
      tpu.wait_dma2 semaphore(%run_scoped3A : memref<!tpu.dma_semaphore, #tpu.memory_space<semaphore_mem>>) src(%dma_wait3A_70 : memref<640x128xf32, #tpu.memory_space<vmem_shared>>) dst(%dma_wait3A_68 : memref<640x128xf32, #tpu.memory_space<hbm>>)
      tpu.yield
    }) : () -> ()
    return
  }
}

#map = affine_map<(d0, d1) -> (0, 0)>
#map1 = affine_map<(d0, d1) -> (0, 0, 0)>
module attributes {stable_mosaic.version = 14 : i64} {
  func.func @_degree_kernel(%arg0: i32, %arg1: i32, %arg2: memref<2x320000xi32, #tpu.memory_space<hbm>>, %arg3: memref<2x7680xi32, #tpu.memory_space<hbm>>, %arg4: memref<2x80x128xf32, #tpu.memory_space<hbm>>, %arg5: memref<2x10240xi32, #tpu.memory_space<vmem>>, %arg6: memref<80x128xf32, #tpu.memory_space<vmem>>, %arg7: memref<80xi32, #tpu.memory_space<vmem>>, %arg8: memref<16x128xf32, #tpu.memory_space<vmem>>, %arg9: memref<80x128xf32, #tpu.memory_space<vmem_shared>>) attributes {dimension_semantics = [#tpu.dimension_semantics<core_parallel>, #tpu.dimension_semantics<subcore_parallel>], iteration_bounds = array<i64: 2, 16>, scalar_prefetch = 0 : i64, scratch_operands = 5 : i64, tpu.core_type = #tpu.core_type<sc_vector_subcore>, window_params = [{transform_indices = #map}, {transform_indices = #map}, {transform_indices = #map1}]} {
    %mul3A = arith.constant 16 : i32
    %mul3A_0 = arith.muli %arg0, %mul3A : i32
    %add3A = arith.addi %mul3A_0, %arg1 : i32
    %lt3A = arith.constant 31 : i32
    %lt3A_1 = arith.cmpi slt, %add3A, %lt3A : i32
    %convert_element_type3A = arith.extui %lt3A_1 : i1 to i32
    %cond3A = arith.constant 0 : i32
    %cond3A_2 = arith.cmpi ne, %convert_element_type3A, %cond3A : i32
    scf.if %cond3A_2 {
      %mul3A_54 = arith.constant 10240 : i32
      %mul3A_55 = arith.muli %add3A, %mul3A_54 : i32
      "tpu.region"() ({
        %run_scoped3A = tpu.sem_alloc : memref<!tpu.dma_semaphore, #tpu.memory_space<semaphore_mem>>
        %dma_start3A = arith.constant 0 : i32
        %dma_start3A_56 = tpu.memref_slice %arg2[%dma_start3A, %mul3A_55] : memref<2x320000xi32, #tpu.memory_space<hbm>> -> memref<2x10240xi32, #tpu.memory_space<hbm>>
        %dma_start3A_57 = arith.constant 0 : i32
        %dma_start3A_58 = tpu.memref_slice %arg2[%dma_start3A_57, %mul3A_55] : memref<2x320000xi32, #tpu.memory_space<hbm>> -> memref<2x10240xi32, #tpu.memory_space<hbm>>
        tpu.enqueue_dma source(%dma_start3A_58 : memref<2x10240xi32, #tpu.memory_space<hbm>>) target(%arg5 : memref<2x10240xi32, #tpu.memory_space<vmem>>) target_semaphore(%run_scoped3A : memref<!tpu.dma_semaphore, #tpu.memory_space<semaphore_mem>>)
        %dma_wait3A = arith.constant 0 : i32
        %dma_wait3A_59 = tpu.memref_slice %arg2[%dma_wait3A, %mul3A_55] : memref<2x320000xi32, #tpu.memory_space<hbm>> -> memref<2x10240xi32, #tpu.memory_space<hbm>>
        %dma_wait3A_60 = arith.constant 0 : i32
        %dma_wait3A_61 = tpu.memref_slice %arg2[%dma_wait3A_60, %mul3A_55] : memref<2x320000xi32, #tpu.memory_space<hbm>> -> memref<2x10240xi32, #tpu.memory_space<hbm>>
        tpu.wait_dma2 semaphore(%run_scoped3A : memref<!tpu.dma_semaphore, #tpu.memory_space<semaphore_mem>>) src(%dma_wait3A_61 : memref<2x10240xi32, #tpu.memory_space<hbm>>) dst(%arg5 : memref<2x10240xi32, #tpu.memory_space<vmem>>)
        tpu.yield
      }) : () -> ()
    } else {
    }
    %eq3A = arith.constant 31 : i32
    %eq3A_3 = arith.cmpi eq, %add3A, %eq3A : i32
    %convert_element_type3A_4 = arith.extui %eq3A_3 : i1 to i32
    %cond3A_5 = arith.constant 0 : i32
    %cond3A_6 = arith.cmpi ne, %convert_element_type3A_4, %cond3A_5 : i32
    scf.if %cond3A_6 {
      "tpu.region"() ({
        %run_scoped3A = tpu.sem_alloc : memref<!tpu.dma_semaphore, #tpu.memory_space<semaphore_mem>>
        %dma_start3A = arith.constant 0 : i32
        %dma_start3A_54 = arith.constant 0 : i32
        %dma_start3A_55 = tpu.memref_slice %arg5[%dma_start3A, %dma_start3A_54] : memref<2x10240xi32, #tpu.memory_space<vmem>> -> memref<2x2560xi32, #tpu.memory_space<vmem>>
        %dma_start3A_56 = arith.constant 0 : i32
        %dma_start3A_57 = arith.constant 317440 : i32
        %dma_start3A_58 = tpu.memref_slice %arg2[%dma_start3A_56, %dma_start3A_57] : memref<2x320000xi32, #tpu.memory_space<hbm>> -> memref<2x2560xi32, #tpu.memory_space<hbm>>
        %dma_start3A_59 = arith.constant 0 : i32
        %dma_start3A_60 = arith.constant 0 : i32
        %dma_start3A_61 = tpu.memref_slice %arg5[%dma_start3A_59, %dma_start3A_60] : memref<2x10240xi32, #tpu.memory_space<vmem>> -> memref<2x2560xi32, #tpu.memory_space<vmem>>
        %dma_start3A_62 = arith.constant 0 : i32
        %dma_start3A_63 = arith.constant 317440 : i32
        %dma_start3A_64 = tpu.memref_slice %arg2[%dma_start3A_62, %dma_start3A_63] : memref<2x320000xi32, #tpu.memory_space<hbm>> -> memref<2x2560xi32, #tpu.memory_space<hbm>>
        tpu.enqueue_dma source(%dma_start3A_64 : memref<2x2560xi32, #tpu.memory_space<hbm>>) target(%dma_start3A_61 : memref<2x2560xi32, #tpu.memory_space<vmem>>) target_semaphore(%run_scoped3A : memref<!tpu.dma_semaphore, #tpu.memory_space<semaphore_mem>>)
        %dma_wait3A = arith.constant 0 : i32
        %dma_wait3A_65 = arith.constant 0 : i32
        %dma_wait3A_66 = tpu.memref_slice %arg5[%dma_wait3A, %dma_wait3A_65] : memref<2x10240xi32, #tpu.memory_space<vmem>> -> memref<2x2560xi32, #tpu.memory_space<vmem>>
        %dma_wait3A_67 = arith.constant 0 : i32
        %dma_wait3A_68 = arith.constant 317440 : i32
        %dma_wait3A_69 = tpu.memref_slice %arg2[%dma_wait3A_67, %dma_wait3A_68] : memref<2x320000xi32, #tpu.memory_space<hbm>> -> memref<2x2560xi32, #tpu.memory_space<hbm>>
        %dma_wait3A_70 = arith.constant 0 : i32
        %dma_wait3A_71 = arith.constant 0 : i32
        %dma_wait3A_72 = tpu.memref_slice %arg5[%dma_wait3A_70, %dma_wait3A_71] : memref<2x10240xi32, #tpu.memory_space<vmem>> -> memref<2x2560xi32, #tpu.memory_space<vmem>>
        %dma_wait3A_73 = arith.constant 0 : i32
        %dma_wait3A_74 = arith.constant 317440 : i32
        %dma_wait3A_75 = tpu.memref_slice %arg2[%dma_wait3A_73, %dma_wait3A_74] : memref<2x320000xi32, #tpu.memory_space<hbm>> -> memref<2x2560xi32, #tpu.memory_space<hbm>>
        tpu.wait_dma2 semaphore(%run_scoped3A : memref<!tpu.dma_semaphore, #tpu.memory_space<semaphore_mem>>) src(%dma_wait3A_75 : memref<2x2560xi32, #tpu.memory_space<hbm>>) dst(%dma_wait3A_72 : memref<2x2560xi32, #tpu.memory_space<vmem>>)
        tpu.yield
      }) : () -> ()
      "tpu.region"() ({
        %run_scoped3A = tpu.sem_alloc : memref<!tpu.dma_semaphore, #tpu.memory_space<semaphore_mem>>
        %dma_start3A = arith.constant 0 : i32
        %dma_start3A_54 = arith.constant 2560 : i32
        %dma_start3A_55 = tpu.memref_slice %arg5[%dma_start3A, %dma_start3A_54] : memref<2x10240xi32, #tpu.memory_space<vmem>> -> memref<2x7680xi32, #tpu.memory_space<vmem>>
        %dma_start3A_56 = arith.constant 0 : i32
        %dma_start3A_57 = arith.constant 2560 : i32
        %dma_start3A_58 = tpu.memref_slice %arg5[%dma_start3A_56, %dma_start3A_57] : memref<2x10240xi32, #tpu.memory_space<vmem>> -> memref<2x7680xi32, #tpu.memory_space<vmem>>
        tpu.enqueue_dma source(%arg3 : memref<2x7680xi32, #tpu.memory_space<hbm>>) target(%dma_start3A_58 : memref<2x7680xi32, #tpu.memory_space<vmem>>) target_semaphore(%run_scoped3A : memref<!tpu.dma_semaphore, #tpu.memory_space<semaphore_mem>>)
        %dma_wait3A = arith.constant 0 : i32
        %dma_wait3A_59 = arith.constant 2560 : i32
        %dma_wait3A_60 = tpu.memref_slice %arg5[%dma_wait3A, %dma_wait3A_59] : memref<2x10240xi32, #tpu.memory_space<vmem>> -> memref<2x7680xi32, #tpu.memory_space<vmem>>
        %dma_wait3A_61 = arith.constant 0 : i32
        %dma_wait3A_62 = arith.constant 2560 : i32
        %dma_wait3A_63 = tpu.memref_slice %arg5[%dma_wait3A_61, %dma_wait3A_62] : memref<2x10240xi32, #tpu.memory_space<vmem>> -> memref<2x7680xi32, #tpu.memory_space<vmem>>
        tpu.wait_dma2 semaphore(%run_scoped3A : memref<!tpu.dma_semaphore, #tpu.memory_space<semaphore_mem>>) src(%arg3 : memref<2x7680xi32, #tpu.memory_space<hbm>>) dst(%dma_wait3A_63 : memref<2x7680xi32, #tpu.memory_space<vmem>>)
        tpu.yield
      }) : () -> ()
    } else {
    }
    %broadcast_in_dim3A = arith.constant 0.000000e+00 : f32
    %broadcast_in_dim3A_7 = vector.broadcast %broadcast_in_dim3A : f32 to vector<16xf32>
    %iota3A = tpu.iota {dimensions = array<i32: 0>} : vector<16xi32>
    %add3A_8 = arith.constant 0 : i32
    %add3A_9 = vector.broadcast %add3A_8 : i32 to vector<16xi32>
    %add3A_10 = arith.addi %iota3A, %add3A_9 : vector<16xi32>
    %swap3A = arith.constant 0 : index
    %swap3A_11 = tpu.vector_load %arg7[%swap3A] {strides = array<i32>} : memref<80xi32, #tpu.memory_space<vmem>>, vector<16xi32>,
    tpu.vector_store %arg7[%swap3A], %add3A_10 {strides = array<i32>} : memref<80xi32, #tpu.memory_space<vmem>>, vector<16xi32>,
    %add3A_12 = arith.constant 16 : i32
    %add3A_13 = vector.broadcast %add3A_12 : i32 to vector<16xi32>
    %add3A_14 = arith.addi %iota3A, %add3A_13 : vector<16xi32>
    %swap3A_15 = arith.constant 16 : index
    %swap3A_16 = tpu.vector_load %arg7[%swap3A_15] {strides = array<i32>} : memref<80xi32, #tpu.memory_space<vmem>>, vector<16xi32>,
    tpu.vector_store %arg7[%swap3A_15], %add3A_14 {strides = array<i32>} : memref<80xi32, #tpu.memory_space<vmem>>, vector<16xi32>,
    %add3A_17 = arith.constant 32 : i32
    %add3A_18 = vector.broadcast %add3A_17 : i32 to vector<16xi32>
    %add3A_19 = arith.addi %iota3A, %add3A_18 : vector<16xi32>
    %swap3A_20 = arith.constant 32 : index
    %swap3A_21 = tpu.vector_load %arg7[%swap3A_20] {strides = array<i32>} : memref<80xi32, #tpu.memory_space<vmem>>, vector<16xi32>,
    tpu.vector_store %arg7[%swap3A_20], %add3A_19 {strides = array<i32>} : memref<80xi32, #tpu.memory_space<vmem>>, vector<16xi32>,
    %add3A_22 = arith.constant 48 : i32
    %add3A_23 = vector.broadcast %add3A_22 : i32 to vector<16xi32>
    %add3A_24 = arith.addi %iota3A, %add3A_23 : vector<16xi32>
    %swap3A_25 = arith.constant 48 : index
    %swap3A_26 = tpu.vector_load %arg7[%swap3A_25] {strides = array<i32>} : memref<80xi32, #tpu.memory_space<vmem>>, vector<16xi32>,
    tpu.vector_store %arg7[%swap3A_25], %add3A_24 {strides = array<i32>} : memref<80xi32, #tpu.memory_space<vmem>>, vector<16xi32>,
    %add3A_27 = arith.constant 64 : i32
    %add3A_28 = vector.broadcast %add3A_27 : i32 to vector<16xi32>
    %add3A_29 = arith.addi %iota3A, %add3A_28 : vector<16xi32>
    %swap3A_30 = arith.constant 64 : index
    %swap3A_31 = tpu.vector_load %arg7[%swap3A_30] {strides = array<i32>} : memref<80xi32, #tpu.memory_space<vmem>>, vector<16xi32>,
    tpu.vector_store %arg7[%swap3A_30], %add3A_29 {strides = array<i32>} : memref<80xi32, #tpu.memory_space<vmem>>, vector<16xi32>,
    %eq3A_32 = arith.constant 0 : i32
    %eq3A_33 = arith.cmpi eq, %arg1, %eq3A_32 : i32
    %convert_element_type3A_34 = arith.extui %eq3A_33 : i1 to i32
    %cond3A_35 = arith.constant 0 : i32
    %cond3A_36 = arith.cmpi ne, %convert_element_type3A_34, %cond3A_35 : i32
    scf.if %cond3A_36 {
      %scan3A_54 = arith.constant 0 : i32
      %scan3A_55 = arith.constant 0 : i32
      %scan3A_56 = arith.constant 16 : i32
      %scan3A_57 = arith.addi %scan3A_55, %scan3A_56 : i32
      %scan3A_58 = arith.constant 1 : i32
      scf.for %scan3A_60 = %scan3A_55 to %scan3A_57 step %scan3A_58  : i32 {
        %swap3A_61 = arith.index_cast %scan3A_60 : i32 to index
        %swap3A_62 = arith.constant 0 : index
        %swap3A_63 = tpu.vector_load %arg8[%swap3A_61, %swap3A_62] {strides = array<i32>} : memref<16x128xf32, #tpu.memory_space<vmem>>, vector<16xf32>,
        tpu.vector_store %arg8[%swap3A_61, %swap3A_62], %broadcast_in_dim3A_7 {strides = array<i32>} : memref<16x128xf32, #tpu.memory_space<vmem>>, vector<16xf32>,
        %swap3A_64 = arith.index_cast %scan3A_60 : i32 to index
        %swap3A_65 = arith.constant 16 : index
        %swap3A_66 = tpu.vector_load %arg8[%swap3A_64, %swap3A_65] {strides = array<i32>} : memref<16x128xf32, #tpu.memory_space<vmem>>, vector<16xf32>,
        tpu.vector_store %arg8[%swap3A_64, %swap3A_65], %broadcast_in_dim3A_7 {strides = array<i32>} : memref<16x128xf32, #tpu.memory_space<vmem>>, vector<16xf32>,
        %swap3A_67 = arith.index_cast %scan3A_60 : i32 to index
        %swap3A_68 = arith.constant 32 : index
        %swap3A_69 = tpu.vector_load %arg8[%swap3A_67, %swap3A_68] {strides = array<i32>} : memref<16x128xf32, #tpu.memory_space<vmem>>, vector<16xf32>,
        tpu.vector_store %arg8[%swap3A_67, %swap3A_68], %broadcast_in_dim3A_7 {strides = array<i32>} : memref<16x128xf32, #tpu.memory_space<vmem>>, vector<16xf32>,
        %swap3A_70 = arith.index_cast %scan3A_60 : i32 to index
        %swap3A_71 = arith.constant 48 : index
        %swap3A_72 = tpu.vector_load %arg8[%swap3A_70, %swap3A_71] {strides = array<i32>} : memref<16x128xf32, #tpu.memory_space<vmem>>, vector<16xf32>,
        tpu.vector_store %arg8[%swap3A_70, %swap3A_71], %broadcast_in_dim3A_7 {strides = array<i32>} : memref<16x128xf32, #tpu.memory_space<vmem>>, vector<16xf32>,
        %swap3A_73 = arith.index_cast %scan3A_60 : i32 to index
        %swap3A_74 = arith.constant 64 : index
        %swap3A_75 = tpu.vector_load %arg8[%swap3A_73, %swap3A_74] {strides = array<i32>} : memref<16x128xf32, #tpu.memory_space<vmem>>, vector<16xf32>,
        tpu.vector_store %arg8[%swap3A_73, %swap3A_74], %broadcast_in_dim3A_7 {strides = array<i32>} : memref<16x128xf32, #tpu.memory_space<vmem>>, vector<16xf32>,
        %swap3A_76 = arith.index_cast %scan3A_60 : i32 to index
        %swap3A_77 = arith.constant 80 : index
        %swap3A_78 = tpu.vector_load %arg8[%swap3A_76, %swap3A_77] {strides = array<i32>} : memref<16x128xf32, #tpu.memory_space<vmem>>, vector<16xf32>,
        tpu.vector_store %arg8[%swap3A_76, %swap3A_77], %broadcast_in_dim3A_7 {strides = array<i32>} : memref<16x128xf32, #tpu.memory_space<vmem>>, vector<16xf32>,
        %swap3A_79 = arith.index_cast %scan3A_60 : i32 to index
        %swap3A_80 = arith.constant 96 : index
        %swap3A_81 = tpu.vector_load %arg8[%swap3A_79, %swap3A_80] {strides = array<i32>} : memref<16x128xf32, #tpu.memory_space<vmem>>, vector<16xf32>,
        tpu.vector_store %arg8[%swap3A_79, %swap3A_80], %broadcast_in_dim3A_7 {strides = array<i32>} : memref<16x128xf32, #tpu.memory_space<vmem>>, vector<16xf32>,
        %swap3A_82 = arith.index_cast %scan3A_60 : i32 to index
        %swap3A_83 = arith.constant 112 : index
        %swap3A_84 = tpu.vector_load %arg8[%swap3A_82, %swap3A_83] {strides = array<i32>} : memref<16x128xf32, #tpu.memory_space<vmem>>, vector<16xf32>,
        tpu.vector_store %arg8[%swap3A_82, %swap3A_83], %broadcast_in_dim3A_7 {strides = array<i32>} : memref<16x128xf32, #tpu.memory_space<vmem>>, vector<16xf32>,
      }
      %scan3A_59 = arith.constant 16 : i32
      "tpu.region"() ({
        %run_scoped3A = tpu.sem_alloc : memref<!tpu.dma_semaphore, #tpu.memory_space<semaphore_mem>>
        %dma_start3A = arith.constant 0 : i32
        %dma_start3A_60 = arith.constant 0 : i32
        %dma_start3A_61 = tpu.memref_slice %arg9[%dma_start3A, %dma_start3A_60] : memref<80x128xf32, #tpu.memory_space<vmem_shared>> -> memref<16x128xf32, #tpu.memory_space<vmem_shared>>
        %dma_start3A_62 = arith.constant 0 : i32
        %dma_start3A_63 = arith.constant 0 : i32
        %dma_start3A_64 = tpu.memref_slice %arg9[%dma_start3A_62, %dma_start3A_63] : memref<80x128xf32, #tpu.memory_space<vmem_shared>> -> memref<16x128xf32, #tpu.memory_space<vmem_shared>>
        tpu.enqueue_dma source(%arg8 : memref<16x128xf32, #tpu.memory_space<vmem>>) target(%dma_start3A_64 : memref<16x128xf32, #tpu.memory_space<vmem_shared>>) target_semaphore(%run_scoped3A : memref<!tpu.dma_semaphore, #tpu.memory_space<semaphore_mem>>)
        %dma_wait3A = arith.constant 0 : i32
        %dma_wait3A_65 = arith.constant 0 : i32
        %dma_wait3A_66 = tpu.memref_slice %arg9[%dma_wait3A, %dma_wait3A_65] : memref<80x128xf32, #tpu.memory_space<vmem_shared>> -> memref<16x128xf32, #tpu.memory_space<vmem_shared>>
        %dma_wait3A_67 = arith.constant 0 : i32
        %dma_wait3A_68 = arith.constant 0 : i32
        %dma_wait3A_69 = tpu.memref_slice %arg9[%dma_wait3A_67, %dma_wait3A_68] : memref<80x128xf32, #tpu.memory_space<vmem_shared>> -> memref<16x128xf32, #tpu.memory_space<vmem_shared>>
        tpu.wait_dma2 semaphore(%run_scoped3A : memref<!tpu.dma_semaphore, #tpu.memory_space<semaphore_mem>>) src(%arg8 : memref<16x128xf32, #tpu.memory_space<vmem>>) dst(%dma_wait3A_69 : memref<16x128xf32, #tpu.memory_space<vmem_shared>>)
        tpu.yield
      }) : () -> ()
      "tpu.region"() ({
        %run_scoped3A = tpu.sem_alloc : memref<!tpu.dma_semaphore, #tpu.memory_space<semaphore_mem>>
        %dma_start3A = arith.constant 16 : i32
        %dma_start3A_60 = arith.constant 0 : i32
        %dma_start3A_61 = tpu.memref_slice %arg9[%dma_start3A, %dma_start3A_60] : memref<80x128xf32, #tpu.memory_space<vmem_shared>> -> memref<16x128xf32, #tpu.memory_space<vmem_shared>>
        %dma_start3A_62 = arith.constant 16 : i32
        %dma_start3A_63 = arith.constant 0 : i32
        %dma_start3A_64 = tpu.memref_slice %arg9[%dma_start3A_62, %dma_start3A_63] : memref<80x128xf32, #tpu.memory_space<vmem_shared>> -> memref<16x128xf32, #tpu.memory_space<vmem_shared>>
        tpu.enqueue_dma source(%arg8 : memref<16x128xf32, #tpu.memory_space<vmem>>) target(%dma_start3A_64 : memref<16x128xf32, #tpu.memory_space<vmem_shared>>) target_semaphore(%run_scoped3A : memref<!tpu.dma_semaphore, #tpu.memory_space<semaphore_mem>>)
        %dma_wait3A = arith.constant 16 : i32
        %dma_wait3A_65 = arith.constant 0 : i32
        %dma_wait3A_66 = tpu.memref_slice %arg9[%dma_wait3A, %dma_wait3A_65] : memref<80x128xf32, #tpu.memory_space<vmem_shared>> -> memref<16x128xf32, #tpu.memory_space<vmem_shared>>
        %dma_wait3A_67 = arith.constant 16 : i32
        %dma_wait3A_68 = arith.constant 0 : i32
        %dma_wait3A_69 = tpu.memref_slice %arg9[%dma_wait3A_67, %dma_wait3A_68] : memref<80x128xf32, #tpu.memory_space<vmem_shared>> -> memref<16x128xf32, #tpu.memory_space<vmem_shared>>
        tpu.wait_dma2 semaphore(%run_scoped3A : memref<!tpu.dma_semaphore, #tpu.memory_space<semaphore_mem>>) src(%arg8 : memref<16x128xf32, #tpu.memory_space<vmem>>) dst(%dma_wait3A_69 : memref<16x128xf32, #tpu.memory_space<vmem_shared>>)
        tpu.yield
      }) : () -> ()
      "tpu.region"() ({
        %run_scoped3A = tpu.sem_alloc : memref<!tpu.dma_semaphore, #tpu.memory_space<semaphore_mem>>
        %dma_start3A = arith.constant 32 : i32
        %dma_start3A_60 = arith.constant 0 : i32
        %dma_start3A_61 = tpu.memref_slice %arg9[%dma_start3A, %dma_start3A_60] : memref<80x128xf32, #tpu.memory_space<vmem_shared>> -> memref<16x128xf32, #tpu.memory_space<vmem_shared>>
        %dma_start3A_62 = arith.constant 32 : i32
        %dma_start3A_63 = arith.constant 0 : i32
        %dma_start3A_64 = tpu.memref_slice %arg9[%dma_start3A_62, %dma_start3A_63] : memref<80x128xf32, #tpu.memory_space<vmem_shared>> -> memref<16x128xf32, #tpu.memory_space<vmem_shared>>
        tpu.enqueue_dma source(%arg8 : memref<16x128xf32, #tpu.memory_space<vmem>>) target(%dma_start3A_64 : memref<16x128xf32, #tpu.memory_space<vmem_shared>>) target_semaphore(%run_scoped3A : memref<!tpu.dma_semaphore, #tpu.memory_space<semaphore_mem>>)
        %dma_wait3A = arith.constant 32 : i32
        %dma_wait3A_65 = arith.constant 0 : i32
        %dma_wait3A_66 = tpu.memref_slice %arg9[%dma_wait3A, %dma_wait3A_65] : memref<80x128xf32, #tpu.memory_space<vmem_shared>> -> memref<16x128xf32, #tpu.memory_space<vmem_shared>>
        %dma_wait3A_67 = arith.constant 32 : i32
        %dma_wait3A_68 = arith.constant 0 : i32
        %dma_wait3A_69 = tpu.memref_slice %arg9[%dma_wait3A_67, %dma_wait3A_68] : memref<80x128xf32, #tpu.memory_space<vmem_shared>> -> memref<16x128xf32, #tpu.memory_space<vmem_shared>>
        tpu.wait_dma2 semaphore(%run_scoped3A : memref<!tpu.dma_semaphore, #tpu.memory_space<semaphore_mem>>) src(%arg8 : memref<16x128xf32, #tpu.memory_space<vmem>>) dst(%dma_wait3A_69 : memref<16x128xf32, #tpu.memory_space<vmem_shared>>)
        tpu.yield
      }) : () -> ()
      "tpu.region"() ({
        %run_scoped3A = tpu.sem_alloc : memref<!tpu.dma_semaphore, #tpu.memory_space<semaphore_mem>>
        %dma_start3A = arith.constant 48 : i32
        %dma_start3A_60 = arith.constant 0 : i32
        %dma_start3A_61 = tpu.memref_slice %arg9[%dma_start3A, %dma_start3A_60] : memref<80x128xf32, #tpu.memory_space<vmem_shared>> -> memref<16x128xf32, #tpu.memory_space<vmem_shared>>
        %dma_start3A_62 = arith.constant 48 : i32
        %dma_start3A_63 = arith.constant 0 : i32
        %dma_start3A_64 = tpu.memref_slice %arg9[%dma_start3A_62, %dma_start3A_63] : memref<80x128xf32, #tpu.memory_space<vmem_shared>> -> memref<16x128xf32, #tpu.memory_space<vmem_shared>>
        tpu.enqueue_dma source(%arg8 : memref<16x128xf32, #tpu.memory_space<vmem>>) target(%dma_start3A_64 : memref<16x128xf32, #tpu.memory_space<vmem_shared>>) target_semaphore(%run_scoped3A : memref<!tpu.dma_semaphore, #tpu.memory_space<semaphore_mem>>)
        %dma_wait3A = arith.constant 48 : i32
        %dma_wait3A_65 = arith.constant 0 : i32
        %dma_wait3A_66 = tpu.memref_slice %arg9[%dma_wait3A, %dma_wait3A_65] : memref<80x128xf32, #tpu.memory_space<vmem_shared>> -> memref<16x128xf32, #tpu.memory_space<vmem_shared>>
        %dma_wait3A_67 = arith.constant 48 : i32
        %dma_wait3A_68 = arith.constant 0 : i32
        %dma_wait3A_69 = tpu.memref_slice %arg9[%dma_wait3A_67, %dma_wait3A_68] : memref<80x128xf32, #tpu.memory_space<vmem_shared>> -> memref<16x128xf32, #tpu.memory_space<vmem_shared>>
        tpu.wait_dma2 semaphore(%run_scoped3A : memref<!tpu.dma_semaphore, #tpu.memory_space<semaphore_mem>>) src(%arg8 : memref<16x128xf32, #tpu.memory_space<vmem>>) dst(%dma_wait3A_69 : memref<16x128xf32, #tpu.memory_space<vmem_shared>>)
        tpu.yield
      }) : () -> ()
      "tpu.region"() ({
        %run_scoped3A = tpu.sem_alloc : memref<!tpu.dma_semaphore, #tpu.memory_space<semaphore_mem>>
        %dma_start3A = arith.constant 64 : i32
        %dma_start3A_60 = arith.constant 0 : i32
        %dma_start3A_61 = tpu.memref_slice %arg9[%dma_start3A, %dma_start3A_60] : memref<80x128xf32, #tpu.memory_space<vmem_shared>> -> memref<16x128xf32, #tpu.memory_space<vmem_shared>>
        %dma_start3A_62 = arith.constant 64 : i32
        %dma_start3A_63 = arith.constant 0 : i32
        %dma_start3A_64 = tpu.memref_slice %arg9[%dma_start3A_62, %dma_start3A_63] : memref<80x128xf32, #tpu.memory_space<vmem_shared>> -> memref<16x128xf32, #tpu.memory_space<vmem_shared>>
        tpu.enqueue_dma source(%arg8 : memref<16x128xf32, #tpu.memory_space<vmem>>) target(%dma_start3A_64 : memref<16x128xf32, #tpu.memory_space<vmem_shared>>) target_semaphore(%run_scoped3A : memref<!tpu.dma_semaphore, #tpu.memory_space<semaphore_mem>>)
        %dma_wait3A = arith.constant 64 : i32
        %dma_wait3A_65 = arith.constant 0 : i32
        %dma_wait3A_66 = tpu.memref_slice %arg9[%dma_wait3A, %dma_wait3A_65] : memref<80x128xf32, #tpu.memory_space<vmem_shared>> -> memref<16x128xf32, #tpu.memory_space<vmem_shared>>
        %dma_wait3A_67 = arith.constant 64 : i32
        %dma_wait3A_68 = arith.constant 0 : i32
        %dma_wait3A_69 = tpu.memref_slice %arg9[%dma_wait3A_67, %dma_wait3A_68] : memref<80x128xf32, #tpu.memory_space<vmem_shared>> -> memref<16x128xf32, #tpu.memory_space<vmem_shared>>
        tpu.wait_dma2 semaphore(%run_scoped3A : memref<!tpu.dma_semaphore, #tpu.memory_space<semaphore_mem>>) src(%arg8 : memref<16x128xf32, #tpu.memory_space<vmem>>) dst(%dma_wait3A_69 : memref<16x128xf32, #tpu.memory_space<vmem_shared>>)
        tpu.yield
      }) : () -> ()
    } else {
    }
    %scan3A = arith.constant 0 : i32
    %scan3A_37 = arith.constant 0 : i32
    %scan3A_38 = arith.constant 80 : i32
    %scan3A_39 = arith.addi %scan3A_37, %scan3A_38 : i32
    %scan3A_40 = arith.constant 1 : i32
    scf.for %scan3A_54 = %scan3A_37 to %scan3A_39 step %scan3A_40  : i32 {
      %swap3A_55 = arith.index_cast %scan3A_54 : i32 to index
      %swap3A_56 = arith.constant 0 : index
      %swap3A_57 = tpu.vector_load %arg6[%swap3A_55, %swap3A_56] {strides = array<i32>} : memref<80x128xf32, #tpu.memory_space<vmem>>, vector<16xf32>,
      tpu.vector_store %arg6[%swap3A_55, %swap3A_56], %broadcast_in_dim3A_7 {strides = array<i32>} : memref<80x128xf32, #tpu.memory_space<vmem>>, vector<16xf32>,
      %swap3A_58 = arith.index_cast %scan3A_54 : i32 to index
      %swap3A_59 = arith.constant 16 : index
      %swap3A_60 = tpu.vector_load %arg6[%swap3A_58, %swap3A_59] {strides = array<i32>} : memref<80x128xf32, #tpu.memory_space<vmem>>, vector<16xf32>,
      tpu.vector_store %arg6[%swap3A_58, %swap3A_59], %broadcast_in_dim3A_7 {strides = array<i32>} : memref<80x128xf32, #tpu.memory_space<vmem>>, vector<16xf32>,
      %swap3A_61 = arith.index_cast %scan3A_54 : i32 to index
      %swap3A_62 = arith.constant 32 : index
      %swap3A_63 = tpu.vector_load %arg6[%swap3A_61, %swap3A_62] {strides = array<i32>} : memref<80x128xf32, #tpu.memory_space<vmem>>, vector<16xf32>,
      tpu.vector_store %arg6[%swap3A_61, %swap3A_62], %broadcast_in_dim3A_7 {strides = array<i32>} : memref<80x128xf32, #tpu.memory_space<vmem>>, vector<16xf32>,
      %swap3A_64 = arith.index_cast %scan3A_54 : i32 to index
      %swap3A_65 = arith.constant 48 : index
      %swap3A_66 = tpu.vector_load %arg6[%swap3A_64, %swap3A_65] {strides = array<i32>} : memref<80x128xf32, #tpu.memory_space<vmem>>, vector<16xf32>,
      tpu.vector_store %arg6[%swap3A_64, %swap3A_65], %broadcast_in_dim3A_7 {strides = array<i32>} : memref<80x128xf32, #tpu.memory_space<vmem>>, vector<16xf32>,
      %swap3A_67 = arith.index_cast %scan3A_54 : i32 to index
      %swap3A_68 = arith.constant 64 : index
      %swap3A_69 = tpu.vector_load %arg6[%swap3A_67, %swap3A_68] {strides = array<i32>} : memref<80x128xf32, #tpu.memory_space<vmem>>, vector<16xf32>,
      tpu.vector_store %arg6[%swap3A_67, %swap3A_68], %broadcast_in_dim3A_7 {strides = array<i32>} : memref<80x128xf32, #tpu.memory_space<vmem>>, vector<16xf32>,
      %swap3A_70 = arith.index_cast %scan3A_54 : i32 to index
      %swap3A_71 = arith.constant 80 : index
      %swap3A_72 = tpu.vector_load %arg6[%swap3A_70, %swap3A_71] {strides = array<i32>} : memref<80x128xf32, #tpu.memory_space<vmem>>, vector<16xf32>,
      tpu.vector_store %arg6[%swap3A_70, %swap3A_71], %broadcast_in_dim3A_7 {strides = array<i32>} : memref<80x128xf32, #tpu.memory_space<vmem>>, vector<16xf32>,
      %swap3A_73 = arith.index_cast %scan3A_54 : i32 to index
      %swap3A_74 = arith.constant 96 : index
      %swap3A_75 = tpu.vector_load %arg6[%swap3A_73, %swap3A_74] {strides = array<i32>} : memref<80x128xf32, #tpu.memory_space<vmem>>, vector<16xf32>,
      tpu.vector_store %arg6[%swap3A_73, %swap3A_74], %broadcast_in_dim3A_7 {strides = array<i32>} : memref<80x128xf32, #tpu.memory_space<vmem>>, vector<16xf32>,
      %swap3A_76 = arith.index_cast %scan3A_54 : i32 to index
      %swap3A_77 = arith.constant 112 : index
      %swap3A_78 = tpu.vector_load %arg6[%swap3A_76, %swap3A_77] {strides = array<i32>} : memref<80x128xf32, #tpu.memory_space<vmem>>, vector<16xf32>,
      tpu.vector_store %arg6[%swap3A_76, %swap3A_77], %broadcast_in_dim3A_7 {strides = array<i32>} : memref<80x128xf32, #tpu.memory_space<vmem>>, vector<16xf32>,
    }
    %scan3A_41 = arith.constant 80 : i32
    %scan3A_42 = arith.constant 0 : i32
    %scan3A_43 = arith.constant 0 : i32
    %scan3A_44 = arith.constant 80 : i32
    %scan3A_45 = arith.addi %scan3A_43, %scan3A_44 : i32
    %scan3A_46 = arith.constant 1 : i32
    scf.for %scan3A_54 = %scan3A_43 to %scan3A_45 step %scan3A_46  : i32 {
      %mul3A_55 = arith.constant 128 : i32
      %mul3A_56 = arith.muli %scan3A_54, %mul3A_55 : i32
      %add3A_57 = arith.constant 0 : i32
      %add3A_58 = arith.addi %mul3A_56, %add3A_57 : i32
      %get3A = arith.constant 0 : i32
      %get3A_59 = arith.index_cast %get3A : i32 to index
      %get3A_60 = arith.index_cast %add3A_58 : i32 to index
      %get3A_61 = tpu.vector_load %arg5[%get3A_59, %get3A_60] {strides = array<i32>} : memref<2x10240xi32, #tpu.memory_space<vmem>>, vector<16xi32>,
      %broadcast_in_dim3A_62 = arith.constant true
      %broadcast_in_dim3A_63 = vector.broadcast %broadcast_in_dim3A_62 : i1 to vector<16xi1>
      %unique3A, %unique3A_64 = tpu.scan_count mask(%broadcast_in_dim3A_63 : vector<16xi1>) value(%get3A_61 : vector<16xi32>) : vector<16xi1>, vector<16xi32>
      %shift_right_logical3A = arith.constant 7 : i32
      %shift_right_logical3A_65 = vector.broadcast %shift_right_logical3A : i32 to vector<16xi32>
      %shift_right_logical3A_66 = arith.shrui %get3A_61, %shift_right_logical3A_65 : vector<16xi32>
      %and3A = arith.constant 127 : i32
      %and3A_67 = vector.broadcast %and3A : i32 to vector<16xi32>
      %and3A_68 = arith.andi %get3A_61, %and3A_67 : vector<16xi32>
      %convert_element_type3A_69 = arith.sitofp %unique3A_64 : vector<16xi32> to vector<16xf32>
      tpu.vector_store_idx %arg6[%shift_right_logical3A_66, %and3A_68], %convert_element_type3A_69 masked %unique3A {add = true} : memref<80x128xf32, #tpu.memory_space<vmem>>[vector<16xi32>, vector<16xi32>], vector<16xf32>, vector<16xi1>
      %mul3A_70 = arith.constant 128 : i32
      %mul3A_71 = arith.muli %scan3A_54, %mul3A_70 : i32
      %add3A_72 = arith.constant 16 : i32
      %add3A_73 = arith.addi %mul3A_71, %add3A_72 : i32
      %get3A_74 = arith.constant 0 : i32
      %get3A_75 = arith.index_cast %get3A_74 : i32 to index
      %get3A_76 = arith.index_cast %add3A_73 : i32 to index
      %get3A_77 = tpu.vector_load %arg5[%get3A_75, %get3A_76] {strides = array<i32>} : memref<2x10240xi32, #tpu.memory_space<vmem>>, vector<16xi32>,
      %broadcast_in_dim3A_78 = arith.constant true
      %broadcast_in_dim3A_79 = vector.broadcast %broadcast_in_dim3A_78 : i1 to vector<16xi1>
      %unique3A_80, %unique3A_81 = tpu.scan_count mask(%broadcast_in_dim3A_79 : vector<16xi1>) value(%get3A_77 : vector<16xi32>) : vector<16xi1>, vector<16xi32>
      %shift_right_logical3A_82 = arith.constant 7 : i32
      %shift_right_logical3A_83 = vector.broadcast %shift_right_logical3A_82 : i32 to vector<16xi32>
      %shift_right_logical3A_84 = arith.shrui %get3A_77, %shift_right_logical3A_83 : vector<16xi32>
      %and3A_85 = arith.constant 127 : i32
      %and3A_86 = vector.broadcast %and3A_85 : i32 to vector<16xi32>
      %and3A_87 = arith.andi %get3A_77, %and3A_86 : vector<16xi32>
      %convert_element_type3A_88 = arith.sitofp %unique3A_81 : vector<16xi32> to vector<16xf32>
      tpu.vector_store_idx %arg6[%shift_right_logical3A_84, %and3A_87], %convert_element_type3A_88 masked %unique3A_80 {add = true} : memref<80x128xf32, #tpu.memory_space<vmem>>[vector<16xi32>, vector<16xi32>], vector<16xf32>, vector<16xi1>
      %mul3A_89 = arith.constant 128 : i32
      %mul3A_90 = arith.muli %scan3A_54, %mul3A_89 : i32
      %add3A_91 = arith.constant 32 : i32
      %add3A_92 = arith.addi %mul3A_90, %add3A_91 : i32
      %get3A_93 = arith.constant 0 : i32
      %get3A_94 = arith.index_cast %get3A_93 : i32 to index
      %get3A_95 = arith.index_cast %add3A_92 : i32 to index
      %get3A_96 = tpu.vector_load %arg5[%get3A_94, %get3A_95] {strides = array<i32>} : memref<2x10240xi32, #tpu.memory_space<vmem>>, vector<16xi32>,
      %broadcast_in_dim3A_97 = arith.constant true
      %broadcast_in_dim3A_98 = vector.broadcast %broadcast_in_dim3A_97 : i1 to vector<16xi1>
      %unique3A_99, %unique3A_100 = tpu.scan_count mask(%broadcast_in_dim3A_98 : vector<16xi1>) value(%get3A_96 : vector<16xi32>) : vector<16xi1>, vector<16xi32>
      %shift_right_logical3A_101 = arith.constant 7 : i32
      %shift_right_logical3A_102 = vector.broadcast %shift_right_logical3A_101 : i32 to vector<16xi32>
      %shift_right_logical3A_103 = arith.shrui %get3A_96, %shift_right_logical3A_102 : vector<16xi32>
      %and3A_104 = arith.constant 127 : i32
      %and3A_105 = vector.broadcast %and3A_104 : i32 to vector<16xi32>
      %and3A_106 = arith.andi %get3A_96, %and3A_105 : vector<16xi32>
      %convert_element_type3A_107 = arith.sitofp %unique3A_100 : vector<16xi32> to vector<16xf32>
      tpu.vector_store_idx %arg6[%shift_right_logical3A_103, %and3A_106], %convert_element_type3A_107 masked %unique3A_99 {add = true} : memref<80x128xf32, #tpu.memory_space<vmem>>[vector<16xi32>, vector<16xi32>], vector<16xf32>, vector<16xi1>
      %mul3A_108 = arith.constant 128 : i32
      %mul3A_109 = arith.muli %scan3A_54, %mul3A_108 : i32
      %add3A_110 = arith.constant 48 : i32
      %add3A_111 = arith.addi %mul3A_109, %add3A_110 : i32
      %get3A_112 = arith.constant 0 : i32
      %get3A_113 = arith.index_cast %get3A_112 : i32 to index
      %get3A_114 = arith.index_cast %add3A_111 : i32 to index
      %get3A_115 = tpu.vector_load %arg5[%get3A_113, %get3A_114] {strides = array<i32>} : memref<2x10240xi32, #tpu.memory_space<vmem>>, vector<16xi32>,
      %broadcast_in_dim3A_116 = arith.constant true
      %broadcast_in_dim3A_117 = vector.broadcast %broadcast_in_dim3A_116 : i1 to vector<16xi1>
      %unique3A_118, %unique3A_119 = tpu.scan_count mask(%broadcast_in_dim3A_117 : vector<16xi1>) value(%get3A_115 : vector<16xi32>) : vector<16xi1>, vector<16xi32>
      %shift_right_logical3A_120 = arith.constant 7 : i32
      %shift_right_logical3A_121 = vector.broadcast %shift_right_logical3A_120 : i32 to vector<16xi32>
      %shift_right_logical3A_122 = arith.shrui %get3A_115, %shift_right_logical3A_121 : vector<16xi32>
      %and3A_123 = arith.constant 127 : i32
      %and3A_124 = vector.broadcast %and3A_123 : i32 to vector<16xi32>
      %and3A_125 = arith.andi %get3A_115, %and3A_124 : vector<16xi32>
      %convert_element_type3A_126 = arith.sitofp %unique3A_119 : vector<16xi32> to vector<16xf32>
      tpu.vector_store_idx %arg6[%shift_right_logical3A_122, %and3A_125], %convert_element_type3A_126 masked %unique3A_118 {add = true} : memref<80x128xf32, #tpu.memory_space<vmem>>[vector<16xi32>, vector<16xi32>], vector<16xf32>, vector<16xi1>
      %mul3A_127 = arith.constant 128 : i32
      %mul3A_128 = arith.muli %scan3A_54, %mul3A_127 : i32
      %add3A_129 = arith.constant 64 : i32
      %add3A_130 = arith.addi %mul3A_128, %add3A_129 : i32
      %get3A_131 = arith.constant 0 : i32
      %get3A_132 = arith.index_cast %get3A_131 : i32 to index
      %get3A_133 = arith.index_cast %add3A_130 : i32 to index
      %get3A_134 = tpu.vector_load %arg5[%get3A_132, %get3A_133] {strides = array<i32>} : memref<2x10240xi32, #tpu.memory_space<vmem>>, vector<16xi32>,
      %broadcast_in_dim3A_135 = arith.constant true
      %broadcast_in_dim3A_136 = vector.broadcast %broadcast_in_dim3A_135 : i1 to vector<16xi1>
      %unique3A_137, %unique3A_138 = tpu.scan_count mask(%broadcast_in_dim3A_136 : vector<16xi1>) value(%get3A_134 : vector<16xi32>) : vector<16xi1>, vector<16xi32>
      %shift_right_logical3A_139 = arith.constant 7 : i32
      %shift_right_logical3A_140 = vector.broadcast %shift_right_logical3A_139 : i32 to vector<16xi32>
      %shift_right_logical3A_141 = arith.shrui %get3A_134, %shift_right_logical3A_140 : vector<16xi32>
      %and3A_142 = arith.constant 127 : i32
      %and3A_143 = vector.broadcast %and3A_142 : i32 to vector<16xi32>
      %and3A_144 = arith.andi %get3A_134, %and3A_143 : vector<16xi32>
      %convert_element_type3A_145 = arith.sitofp %unique3A_138 : vector<16xi32> to vector<16xf32>
      tpu.vector_store_idx %arg6[%shift_right_logical3A_141, %and3A_144], %convert_element_type3A_145 masked %unique3A_137 {add = true} : memref<80x128xf32, #tpu.memory_space<vmem>>[vector<16xi32>, vector<16xi32>], vector<16xf32>, vector<16xi1>
      %mul3A_146 = arith.constant 128 : i32
      %mul3A_147 = arith.muli %scan3A_54, %mul3A_146 : i32
      %add3A_148 = arith.constant 80 : i32
      %add3A_149 = arith.addi %mul3A_147, %add3A_148 : i32
      %get3A_150 = arith.constant 0 : i32
      %get3A_151 = arith.index_cast %get3A_150 : i32 to index
      %get3A_152 = arith.index_cast %add3A_149 : i32 to index
      %get3A_153 = tpu.vector_load %arg5[%get3A_151, %get3A_152] {strides = array<i32>} : memref<2x10240xi32, #tpu.memory_space<vmem>>, vector<16xi32>,
      %broadcast_in_dim3A_154 = arith.constant true
      %broadcast_in_dim3A_155 = vector.broadcast %broadcast_in_dim3A_154 : i1 to vector<16xi1>
      %unique3A_156, %unique3A_157 = tpu.scan_count mask(%broadcast_in_dim3A_155 : vector<16xi1>) value(%get3A_153 : vector<16xi32>) : vector<16xi1>, vector<16xi32>
      %shift_right_logical3A_158 = arith.constant 7 : i32
      %shift_right_logical3A_159 = vector.broadcast %shift_right_logical3A_158 : i32 to vector<16xi32>
      %shift_right_logical3A_160 = arith.shrui %get3A_153, %shift_right_logical3A_159 : vector<16xi32>
      %and3A_161 = arith.constant 127 : i32
      %and3A_162 = vector.broadcast %and3A_161 : i32 to vector<16xi32>
      %and3A_163 = arith.andi %get3A_153, %and3A_162 : vector<16xi32>
      %convert_element_type3A_164 = arith.sitofp %unique3A_157 : vector<16xi32> to vector<16xf32>
      tpu.vector_store_idx %arg6[%shift_right_logical3A_160, %and3A_163], %convert_element_type3A_164 masked %unique3A_156 {add = true} : memref<80x128xf32, #tpu.memory_space<vmem>>[vector<16xi32>, vector<16xi32>], vector<16xf32>, vector<16xi1>
      %mul3A_165 = arith.constant 128 : i32
      %mul3A_166 = arith.muli %scan3A_54, %mul3A_165 : i32
      %add3A_167 = arith.constant 96 : i32
      %add3A_168 = arith.addi %mul3A_166, %add3A_167 : i32
      %get3A_169 = arith.constant 0 : i32
      %get3A_170 = arith.index_cast %get3A_169 : i32 to index
      %get3A_171 = arith.index_cast %add3A_168 : i32 to index
      %get3A_172 = tpu.vector_load %arg5[%get3A_170, %get3A_171] {strides = array<i32>} : memref<2x10240xi32, #tpu.memory_space<vmem>>, vector<16xi32>,
      %broadcast_in_dim3A_173 = arith.constant true
      %broadcast_in_dim3A_174 = vector.broadcast %broadcast_in_dim3A_173 : i1 to vector<16xi1>
      %unique3A_175, %unique3A_176 = tpu.scan_count mask(%broadcast_in_dim3A_174 : vector<16xi1>) value(%get3A_172 : vector<16xi32>) : vector<16xi1>, vector<16xi32>
      %shift_right_logical3A_177 = arith.constant 7 : i32
      %shift_right_logical3A_178 = vector.broadcast %shift_right_logical3A_177 : i32 to vector<16xi32>
      %shift_right_logical3A_179 = arith.shrui %get3A_172, %shift_right_logical3A_178 : vector<16xi32>
      %and3A_180 = arith.constant 127 : i32
      %and3A_181 = vector.broadcast %and3A_180 : i32 to vector<16xi32>
      %and3A_182 = arith.andi %get3A_172, %and3A_181 : vector<16xi32>
      %convert_element_type3A_183 = arith.sitofp %unique3A_176 : vector<16xi32> to vector<16xf32>
      tpu.vector_store_idx %arg6[%shift_right_logical3A_179, %and3A_182], %convert_element_type3A_183 masked %unique3A_175 {add = true} : memref<80x128xf32, #tpu.memory_space<vmem>>[vector<16xi32>, vector<16xi32>], vector<16xf32>, vector<16xi1>
      %mul3A_184 = arith.constant 128 : i32
      %mul3A_185 = arith.muli %scan3A_54, %mul3A_184 : i32
      %add3A_186 = arith.constant 112 : i32
      %add3A_187 = arith.addi %mul3A_185, %add3A_186 : i32
      %get3A_188 = arith.constant 0 : i32
      %get3A_189 = arith.index_cast %get3A_188 : i32 to index
      %get3A_190 = arith.index_cast %add3A_187 : i32 to index
      %get3A_191 = tpu.vector_load %arg5[%get3A_189, %get3A_190] {strides = array<i32>} : memref<2x10240xi32, #tpu.memory_space<vmem>>, vector<16xi32>,
      %broadcast_in_dim3A_192 = arith.constant true
      %broadcast_in_dim3A_193 = vector.broadcast %broadcast_in_dim3A_192 : i1 to vector<16xi1>
      %unique3A_194, %unique3A_195 = tpu.scan_count mask(%broadcast_in_dim3A_193 : vector<16xi1>) value(%get3A_191 : vector<16xi32>) : vector<16xi1>, vector<16xi32>
      %shift_right_logical3A_196 = arith.constant 7 : i32
      %shift_right_logical3A_197 = vector.broadcast %shift_right_logical3A_196 : i32 to vector<16xi32>
      %shift_right_logical3A_198 = arith.shrui %get3A_191, %shift_right_logical3A_197 : vector<16xi32>
      %and3A_199 = arith.constant 127 : i32
      %and3A_200 = vector.broadcast %and3A_199 : i32 to vector<16xi32>
      %and3A_201 = arith.andi %get3A_191, %and3A_200 : vector<16xi32>
      %convert_element_type3A_202 = arith.sitofp %unique3A_195 : vector<16xi32> to vector<16xf32>
      tpu.vector_store_idx %arg6[%shift_right_logical3A_198, %and3A_201], %convert_element_type3A_202 masked %unique3A_194 {add = true} : memref<80x128xf32, #tpu.memory_space<vmem>>[vector<16xi32>, vector<16xi32>], vector<16xf32>, vector<16xi1>
    }
    %scan3A_47 = arith.constant 80 : i32
    %barrier3A = arith.constant 0 : index
    tpu.barrier barrier_id(%barrier3A)
    "tpu.region"() ({
      %run_scoped3A = tpu.sem_alloc : memref<!tpu.dma_semaphore, #tpu.memory_space<semaphore_mem>>
      %dma_start3A = arith.constant 0 : i32
      %dma_start3A_54 = arith.constant 0 : i32
      %dma_start3A_55 = tpu.memref_slice %arg9[%dma_start3A, %dma_start3A_54] : memref<80x128xf32, #tpu.memory_space<vmem_shared>> -> memref<80x128xf32, #tpu.memory_space<vmem_shared>>
      tpu.enqueue_indirect_dma source(%arg6 : memref<80x128xf32, #tpu.memory_space<vmem>>) target(%dma_start3A_55 : memref<80x128xf32, #tpu.memory_space<vmem_shared>>) offsets(%arg7 : memref<80xi32, #tpu.memory_space<vmem>>) semaphore(%run_scoped3A : memref<!tpu.dma_semaphore, #tpu.memory_space<semaphore_mem>>) {add = true}
      %dma_wait3A = arith.constant 0 : i32
      %dma_wait3A_56 = arith.constant 0 : i32
      %dma_wait3A_57 = tpu.memref_slice %arg9[%dma_wait3A, %dma_wait3A_56] : memref<80x128xf32, #tpu.memory_space<vmem_shared>> -> memref<80x128xf32, #tpu.memory_space<vmem_shared>>
      tpu.wait_indirect_dma semaphore(%run_scoped3A : memref<!tpu.dma_semaphore, #tpu.memory_space<semaphore_mem>>) src(%arg6 : memref<80x128xf32, #tpu.memory_space<vmem>>) dst(%dma_wait3A_57 : memref<80x128xf32, #tpu.memory_space<vmem_shared>>)
      tpu.yield
    }) : () -> ()
    %barrier3A_48 = arith.constant 0 : index
    tpu.barrier barrier_id(%barrier3A_48)
    %eq3A_49 = arith.constant 0 : i32
    %eq3A_50 = arith.cmpi eq, %arg1, %eq3A_49 : i32
    %convert_element_type3A_51 = arith.extui %eq3A_50 : i1 to i32
    %cond3A_52 = arith.constant 0 : i32
    %cond3A_53 = arith.cmpi ne, %convert_element_type3A_51, %cond3A_52 : i32
    scf.if %cond3A_53 {
      "tpu.region"() ({
        %run_scoped3A = tpu.sem_alloc : memref<!tpu.dma_semaphore, #tpu.memory_space<semaphore_mem>>
        %dma_start3A = arith.constant 0 : i32
        %dma_start3A_54 = arith.constant 0 : i32
        %dma_start3A_55 = tpu.memref_slice %arg4[%arg0, %dma_start3A, %dma_start3A_54] : memref<2x80x128xf32, #tpu.memory_space<hbm>> -> memref<1x80x128xf32, #tpu.memory_space<hbm>>
        %dma_start3A_56 = tpu.memref_squeeze %dma_start3A_55 : memref<1x80x128xf32, #tpu.memory_space<hbm>> -> memref<80x128xf32, #tpu.memory_space<hbm>>
        tpu.enqueue_dma source(%arg9 : memref<80x128xf32, #tpu.memory_space<vmem_shared>>) target(%dma_start3A_56 : memref<80x128xf32, #tpu.memory_space<hbm>>) target_semaphore(%run_scoped3A : memref<!tpu.dma_semaphore, #tpu.memory_space<semaphore_mem>>)
        %dma_wait3A = arith.constant 0 : i32
        %dma_wait3A_57 = arith.constant 0 : i32
        %dma_wait3A_58 = tpu.memref_slice %arg4[%arg0, %dma_wait3A, %dma_wait3A_57] : memref<2x80x128xf32, #tpu.memory_space<hbm>> -> memref<1x80x128xf32, #tpu.memory_space<hbm>>
        %dma_wait3A_59 = tpu.memref_squeeze %dma_wait3A_58 : memref<1x80x128xf32, #tpu.memory_space<hbm>> -> memref<80x128xf32, #tpu.memory_space<hbm>>
        tpu.wait_dma2 semaphore(%run_scoped3A : memref<!tpu.dma_semaphore, #tpu.memory_space<semaphore_mem>>) src(%arg9 : memref<80x128xf32, #tpu.memory_space<vmem_shared>>) dst(%dma_wait3A_59 : memref<80x128xf32, #tpu.memory_space<hbm>>)
        tpu.yield
      }) : () -> ()
    } else {
    }
    return
  }
}

module attributes {stable_mosaic.version = 14 : i64} {
  func.func @_prescale_body(%arg0: memref<2x10240xf32, #tpu.memory_space<vmem>>, %arg1: memref<10000x128xf32, #tpu.memory_space<vmem>>, %arg2: memref<10000x128xf32, #tpu.memory_space<vmem>>) attributes {dimension_semantics = [], scalar_prefetch = 0 : i64, scratch_operands = 0 : i64, tpu.core_type = #tpu.core_type<tc>} {
    %get3A = arith.constant 0 : index
    %get3A_0 = arith.constant 0 : index
    %get3A_1 = vector.load %arg0[%get3A, %get3A_0] : memref<2x10240xf32, #tpu.memory_space<vmem>>, vector<2x10240xf32>
    %slice3A = vector.extract_strided_slice %get3A_1 {offsets = [0, 0], sizes = [1, 10240], strides = [1, 1]} : vector<2x10240xf32> to vector<1x10240xf32>
    %slice3A_2 = vector.extract_strided_slice %get3A_1 {offsets = [1, 0], sizes = [1, 10240], strides = [1, 1]} : vector<2x10240xf32> to vector<1x10240xf32>
    %add3A = arith.addf %slice3A, %slice3A_2 : vector<1x10240xf32>
    %gt3A = arith.constant 0.000000e+00 : f32
    %gt3A_3 = vector.broadcast %gt3A : f32 to vector<1x10240xf32>
    %gt3A_4 = arith.cmpf ogt, %add3A, %gt3A_3 : vector<1x10240xf32>
    %jit3A = arith.constant 1.000000e+00 : f32
    %broadcast_in_dim3A = vector.broadcast %jit3A : f32 to vector<1x10240xf32>
    %select_n3A = arith.select %gt3A_4, %add3A, %broadcast_in_dim3A : vector<1x10240xi1>, vector<1x10240xf32>
    %gt3A_5 = arith.constant 0.000000e+00 : f32
    %gt3A_6 = vector.broadcast %gt3A_5 : f32 to vector<1x10240xf32>
    %gt3A_7 = arith.cmpf ogt, %add3A, %gt3A_6 : vector<1x10240xf32>
    %rsqrt3A = math.rsqrt %select_n3A : vector<1x10240xf32>
    %jit3A_8 = arith.constant 0.000000e+00 : f32
    %broadcast_in_dim3A_9 = vector.broadcast %jit3A_8 : f32 to vector<1x10240xf32>
    %select_n3A_10 = arith.select %gt3A_7, %rsqrt3A, %broadcast_in_dim3A_9 : vector<1x10240xi1>, vector<1x10240xf32>
    %transpose3A = tpu.transpose %select_n3A_10, [1, 0] : vector<1x10240xf32> -> vector<10240x1xf32>
    %get3A_11 = arith.constant 0 : index
    %get3A_12 = arith.constant 0 : index
    %get3A_13 = vector.load %arg1[%get3A_11, %get3A_12] : memref<10000x128xf32, #tpu.memory_space<vmem>>, vector<10000x128xf32>
    %slice3A_14 = vector.extract_strided_slice %transpose3A {offsets = [0, 0], sizes = [10000, 1], strides = [1, 1]} : vector<10240x1xf32> to vector<10000x1xf32>
    %mul3A = vector.broadcast %slice3A_14 : vector<10000x1xf32> to vector<10000x128xf32>
    %mul3A_15 = arith.mulf %get3A_13, %mul3A : vector<10000x128xf32>
    %swap3A = arith.constant 0 : index
    %swap3A_16 = arith.constant 0 : index
    %swap3A_17 = vector.load %arg2[%swap3A, %swap3A_16] : memref<10000x128xf32, #tpu.memory_space<vmem>>, vector<10000x128xf32>
    tpu.vector_store %arg2[%swap3A, %swap3A_16], %mul3A_15 {strides = array<i32>} : memref<10000x128xf32, #tpu.memory_space<vmem>>, vector<10000x128xf32>,
    return
  }
}

module attributes {stable_mosaic.version = 14 : i64} {
  func.func @_post_body(%arg0: memref<2x10240xf32, #tpu.memory_space<vmem>>, %arg1: memref<2x10240x128xf32, #tpu.memory_space<vmem>>, %arg2: memref<10000x128xf32, #tpu.memory_space<vmem>>) attributes {dimension_semantics = [], scalar_prefetch = 0 : i64, scratch_operands = 0 : i64, tpu.core_type = #tpu.core_type<tc>} {
    %get3A = arith.constant 0 : index
    %get3A_0 = arith.constant 0 : index
    %get3A_1 = vector.load %arg0[%get3A, %get3A_0] : memref<2x10240xf32, #tpu.memory_space<vmem>>, vector<2x10240xf32>
    %slice3A = vector.extract_strided_slice %get3A_1 {offsets = [0, 0], sizes = [1, 10240], strides = [1, 1]} : vector<2x10240xf32> to vector<1x10240xf32>
    %slice3A_2 = vector.extract_strided_slice %get3A_1 {offsets = [1, 0], sizes = [1, 10240], strides = [1, 1]} : vector<2x10240xf32> to vector<1x10240xf32>
    %add3A = arith.addf %slice3A, %slice3A_2 : vector<1x10240xf32>
    %gt3A = arith.constant 0.000000e+00 : f32
    %gt3A_3 = vector.broadcast %gt3A : f32 to vector<1x10240xf32>
    %gt3A_4 = arith.cmpf ogt, %add3A, %gt3A_3 : vector<1x10240xf32>
    %jit3A = arith.constant 1.000000e+00 : f32
    %broadcast_in_dim3A = vector.broadcast %jit3A : f32 to vector<1x10240xf32>
    %select_n3A = arith.select %gt3A_4, %add3A, %broadcast_in_dim3A : vector<1x10240xi1>, vector<1x10240xf32>
    %gt3A_5 = arith.constant 0.000000e+00 : f32
    %gt3A_6 = vector.broadcast %gt3A_5 : f32 to vector<1x10240xf32>
    %gt3A_7 = arith.cmpf ogt, %add3A, %gt3A_6 : vector<1x10240xf32>
    %rsqrt3A = math.rsqrt %select_n3A : vector<1x10240xf32>
    %jit3A_8 = arith.constant 0.000000e+00 : f32
    %broadcast_in_dim3A_9 = vector.broadcast %jit3A_8 : f32 to vector<1x10240xf32>
    %select_n3A_10 = arith.select %gt3A_7, %rsqrt3A, %broadcast_in_dim3A_9 : vector<1x10240xi1>, vector<1x10240xf32>
    %transpose3A = tpu.transpose %select_n3A_10, [1, 0] : vector<1x10240xf32> -> vector<10240x1xf32>
    %get3A_11 = arith.constant 0 : index
    %get3A_12 = arith.constant 0 : index
    %get3A_13 = arith.constant 0 : index
    %get3A_14 = vector.load %arg1[%get3A_11, %get3A_12, %get3A_13] : memref<2x10240x128xf32, #tpu.memory_space<vmem>>, vector<1x10000x128xf32>
    %get3A_15 = vector.shape_cast %get3A_14 : vector<1x10000x128xf32> to vector<10000x128xf32>
    %get3A_16 = arith.constant 1 : index
    %get3A_17 = arith.constant 0 : index
    %get3A_18 = arith.constant 0 : index
    %get3A_19 = vector.load %arg1[%get3A_16, %get3A_17, %get3A_18] : memref<2x10240x128xf32, #tpu.memory_space<vmem>>, vector<1x10000x128xf32>
    %get3A_20 = vector.shape_cast %get3A_19 : vector<1x10000x128xf32> to vector<10000x128xf32>
    %add3A_21 = arith.addf %get3A_15, %get3A_20 : vector<10000x128xf32>
    %slice3A_22 = vector.extract_strided_slice %transpose3A {offsets = [0, 0], sizes = [10000, 1], strides = [1, 1]} : vector<10240x1xf32> to vector<10000x1xf32>
    %mul3A = vector.broadcast %slice3A_22 : vector<10000x1xf32> to vector<10000x128xf32>
    %mul3A_23 = arith.mulf %add3A_21, %mul3A : vector<10000x128xf32>
    %swap3A = arith.constant 0 : index
    %swap3A_24 = arith.constant 0 : index
    %swap3A_25 = vector.load %arg2[%swap3A, %swap3A_24] : memref<10000x128xf32, #tpu.memory_space<vmem>>, vector<10000x128xf32>
    tpu.vector_store %arg2[%swap3A, %swap3A_24], %mul3A_23 {strides = array<i32>} : memref<10000x128xf32, #tpu.memory_space<vmem>>, vector<10000x128xf32>,
    return
  }
}

</mosaic_0001>

<sc_bundles>
// kernel: kernel.6.cloned.1.call-start
scs
__scs_entry_jumppad:
0x0: {  	(pc) =	sbr.rel $0x88, $3  }
0x1: {  	(tag) =	ssettag $0x0;
	lr =	simm.s32 $0x1  }
0x2: {  	[smem:$0x3F9F] =	sst lr;
	_ =	strace $0xD0000000  }
0x3: {  	_ = 	snop  }
0x4: {  	_ = 	snop  }
0x5: {  	_ = 	snop  }
0x6: {  	_ = 	snop  }
0x7: {  	_ = 	snop  }
__scs_overlays_trampoline_lowered:
0x8: {  	[smem:$0x3FAE] =	sst s0  }
0x9: {  	[smem:$0x3FAF] =	sst s1  }
0xa: {  	[smem:$0x3FB0] =	sst s2  }
0xb: {  	[smem:$0x3FB1] =	sst s3  }
0xc: {  	[smem:$0x3FB2] =	sst s4  }
0xd: {  	[smem:$0x3FB3] =	sst s5  }
0xe: {  	[smem:$0x3FB4] =	sst s6  }
0xf: {  	[smem:$0x3FB5] =	sst s7  }
0x10: {  	[smem:$0x3FB6] =	sst s8  }
0x11: {  	[smem:$0x3FB7] =	sst s9;
	s0 =	simm.s32 @!p0 $0x0  }
0x12: {  	s1 =	sld [smem:$0x3F9D];
	s0 =	simm.s32 @p0 $0x1  }
0x13: {  	[smem:$0x3FB8] =	sst s0;
	s0 =	simm.s32 @!p1 $0x0  }
0x14: {  	s2 =	sld [smem:$0x3F9C];
	s0 =	simm.s32 @p1 $0x1  }
0x15: {  	[smem:$0x3FB9] =	sst s0;
	s0 =	simm.s32 @!p2 $0x0  }
0x16: {  	s3 =	sld [smem:$0x3FDB];
	s0 =	simm.s32 @p2 $0x1  }
0x17: {  	s4 =	simm.s32 $0x1BF5;
	[smem:$0x3FBB] =	sst s0  }
0x18: {  	s0 =	sld [smem:$0x3F9E];
	_ =	swait.ge [sflag:s4], $0x0  }
0x19: {  	s7 =	sld [smem:$0x3F9F]  }
0x1a: {  	s8 =	sadd.s32 $0xFFFFE003, lr  }
0x1b: {  	s9 =	sadd.s32 $0xFFFFFEF7, lr;
	s5 =	simm.s32 $0xFFFFFFFF;
	p2 =	slt.u32 s8, $0xFFFFF086  }
0x1c: {  	p1 =	slt.u32 s9, $0xF7A;
	s5 =	simm.s32 @!p2 $0x0  }
0x1d: {  	s5 =	simm.s32 @p1 $0x1;
	p0 =	seq.s32 s7, s2  }
0x1e: {  	s7 =	smul.u32 @!p0 $0xF7A, s2;
	p2 =	seq.s32 @!p0 s5, $0x0  }
0x1f: {  	s9 =	smul.u32 $0xF7A, s1;
	s8 =	simm.s32 @!p0 $0x1BF5;
	p2 =	por !p2, p0  }
0x20: {  	[sflag:s8] =	ssyncset.s32 @!p0 $0xFFFFF086;
	s6 =	sadd.s32 @!p0 s3, s7;
	s7 =	simm.s32 @!p0 $0x108  }
0x21: {  	s3 =	sadd.s32 s3, s9;
	s6 =	sadd.s32 @!p0 $0x88, s6;
	s7 =	simm.s32 @p2 $0x1082  }
0x22: {  	[simem:s7], [sflag:s8] =	dma.local @!p0 [hbm:s6], $0xF7A  }
0x23: {  	s9 =	sor.u32 $0xD0000000, s2;
	s6 =	simm.s32 $0x108;
	_ =	swait.ge @!p0 [sflag:s8], $0x0  }
0x24: {  	s3 =	sadd.s32 $0x88, s3;
	s6 =	simm.s32 @!p1 $0x1082;
	[sflag:s4] =	ssyncset.s32 $0xFFFFF086  }
0x25: {  	[simem:s6], [sflag:s4] =	dma.local [hbm:s3], $0xF7A  }
0x26: {  	[smem:$0x3F9F] =	sst s1;
	(tag) =	ssettag s2;
	_ =	strace s9  }
0x27: {  	s1 =	sld [smem:$0x3FAF]  }
0x28: {  	s2 =	sld [smem:$0x3FB0]  }
0x29: {  	s4 =	sld [smem:$0x3FB2]  }
0x2a: {  	p0 =	seq.s32 s5, $0x0;
	s5 =	sld [smem:$0x3FB3]  }
0x2b: {  	s6 =	sld [smem:$0x3FB4]  }
0x2c: {  	s7 =	sld [smem:$0x3FB5]  }
0x2d: {  	s3 =	simm.s32 $0x108;
	s8 =	sld [smem:$0x3FB6]  }
0x2e: {  	s3 =	simm.s32 @!p0 $0x1082;
	s9 =	sld [smem:$0x3FB7]  }
0x2f: {  	lr =	sadd.s32 s0, s3;
	s0 =	sld [smem:$0x3FAE]  }
0x30: {  	s3 =	sld [smem:$0x3FB1]  }
0x31: {  	[smem:$0x3FBA] =	sst s10  }
0x32: {  	s10 =	sld [smem:$0x3FB8];
	_ =	sdelay $0x3  }
0x33: {  	p0 =	seq.s32 s10, $0x1;
	s10 =	sld [smem:$0x3FBA];
	_ =	sdelay $0x3  }
0x34: {  	[smem:$0x3FBA] =	sst s10  }
0x35: {  	s10 =	sld [smem:$0x3FB9];
	_ =	sdelay $0x3  }
0x36: {  	p1 =	seq.s32 s10, $0x1;
	s10 =	sld [smem:$0x3FBA];
	_ =	sdelay $0x3  }
0x37: {  	[smem:$0x3FBA] =	sst s10  }
0x38: {  	s10 =	sld [smem:$0x3FBB]  }
0x39: {  	_ = 	snop;
	(pc) =	sbr.ind lr, $3  }
0x3a: {  	_ = 	snop  }
0x3b: {  	_ = 	snop  }
0x3c: {  	p2 =	seq.s32 s10, $0x1;
	s10 =	sld [smem:$0x3FBA]  }
0x3d: {  	_ =	shalt  }
0x3e: {  	_ =	shalt  }
0x3f: {  	_ =	shalt  }
0x40: {  	_ =	shalt  }
0x41: {  	_ =	shalt  }
0x42: {  	_ =	shalt  }
0x43: {  	_ =	shalt  }
0x44: {  	_ =	shalt  }
0x45: {  	_ =	shalt  }
0x46: {  	_ =	shalt  }
0x47: {  	_ =	shalt  }
0x48: {  	_ =	shalt  }
0x49: {  	_ =	shalt  }
0x4a: {  	_ =	shalt  }
0x4b: {  	_ =	shalt  }
0x4c: {  	_ =	shalt  }
0x4d: {  	_ =	shalt  }
0x4e: {  	_ =	shalt  }
0x4f: {  	_ =	shalt  }
0x50: {  	_ =	shalt  }
0x51: {  	_ =	shalt  }
0x52: {  	_ =	shalt  }
0x53: {  	_ =	shalt  }
0x54: {  	_ =	shalt  }
0x55: {  	_ =	shalt  }
0x56: {  	_ =	shalt  }
0x57: {  	_ =	shalt  }
0x58: {  	_ =	shalt  }
0x59: {  	_ =	shalt  }
0x5a: {  	_ =	shalt  }
0x5b: {  	_ =	shalt  }
0x5c: {  	_ =	shalt  }
0x5d: {  	_ =	shalt  }
0x5e: {  	_ =	shalt  }
0x5f: {  	_ =	shalt  }
0x60: {  	_ =	shalt  }
0x61: {  	_ =	shalt  }
0x62: {  	_ =	shalt  }
0x63: {  	_ =	shalt  }
0x64: {  	_ =	shalt  }
0x65: {  	_ =	shalt  }
0x66: {  	_ =	shalt  }
0x67: {  	_ =	shalt  }
0x68: {  	_ =	shalt  }
0x69: {  	_ =	shalt  }
0x6a: {  	_ =	shalt  }
0x6b: {  	_ =	shalt  }
0x6c: {  	_ =	shalt  }
0x6d: {  	_ =	shalt  }
0x6e: {  	_ =	shalt  }
0x6f: {  	_ =	shalt  }
0x70: {  	_ =	shalt  }
0x71: {  	_ =	shalt  }
0x72: {  	_ =	shalt  }
0x73: {  	_ =	shalt  }
0x74: {  	_ =	shalt  }
0x75: {  	_ =	shalt  }
0x76: {  	_ =	shalt  }
0x77: {  	_ =	shalt  }
0x78: {  	_ =	shalt  }
0x79: {  	_ =	shalt  }
0x7a: {  	_ =	shalt  }
0x7b: {  	_ =	shalt  }
0x7c: {  	_ =	shalt  }
0x7d: {  	_ =	shalt  }
0x7e: {  	_ =	shalt  }
0x7f: {  	_ =	shalt  }
0x80: {  	_ =	shalt  }
0x81: {  	_ =	shalt  }
0x82: {  	_ =	shalt  }
0x83: {  	_ =	shalt  }
0x84: {  	_ =	shalt  }
0x85: {  	_ =	shalt  }
0x86: {  	_ =	shalt  }
0x87: {  	_ =	shalt  }
.Lfunc_end0:
.L_simem_size_0:
called_computation_lowered:
.L_overlay_start_0:
0x88: {  	s2 =	sld [smem:$0x3FD9]  }
0x89: {  	s3 =	sld [smem:$0x3FFE];
	_ =	sdelay $0x1  }
0x8a: {  	s1 =	srdreg.scid  }
0x8b: {  	s0 =	sand.u32 $0x1, s1  }
0x8c: {  	s17 =	sshll.u32 s0, $0xA;
	s2 =	sadd.s32 s3, s2  }
0x8d: {  	s2 =	sadd.s32 s2, s17  }
0x8e: {  	[smem:$0x3FC6] =	sst s2  }
0x8f: {  	_ = 	snop  }
0x90: {  	s2 =	sld [smem:$0x3FC8]  }
0x91: {  	s18 =	sld [smem:$0x3FD0];
	(tm) =	ssettm $0x1  }
0x92: {  	s4 =	sld [smem:$0x3FFB];
	_ =	sdelay $0x3  }
0x93: {  	_ =	strace s4  }
0x94: {  	s4 =	sld [smem:$0x3FFC];
	_ =	sdelay $0x3  }
0x95: {  	_ =	strace s4  }
0x96: {  	s4 =	sld [smem:$0x3FFD];
	_ =	sdelay $0x3  }
0x97: {  	_ =	strace s4  }
0x98: {  	_ =	strace $0x8FFFFFFF  }
0x99: {  	s19 =	sld [smem:$0x3FDB];
	_ =	sdelay $0x1  }
0x9a: {  	s5 =	simm.s32 $_scs_section_size  }
0x9b: {  	s6 =	simm.s32 $_size__tile_overlayer_lowered;
	s7 =	simm.s32 $_tile_overlayer_lowered  }
0x9c: {  	s22 =	simm.s32 $0x1BFF;
	s21 =	sshll.u32 s7, $0x1;
	s4 =	sadd.s32 s5, s19  }
0x9d: {  	s8 =	simm.s32 $0x0;
	s20 =	sshll.u32 s6, $0x1;
	s6 =	sadd.s32 s21, s4  }
0x9e: {  	[timem:s8], [sflag:s22] =	dma.local [hbm:s6], s20  }
0x9f: {  	_ =	swait.ge [sflag:s22], s20  }
0xa0: {  	s5 =	ssub.s32 $0x0, s20;
	[sflag:s22] =	ssyncset.done $0x0  }
0xa1: {  	[sflag:s22] =	ssyncadd.s32 s5;
	_ =	sdelay $0x1  }
0xa2: {  	s23 =	simm.s32 $0x1B8B  }
0xa3: {  	_ =	swait.ge [sflag:s23], $0x1  }
0xa4: {  	[sflag:s23] =	ssyncset.done $0x0  }
0xa5: {  	s25 =	simm.s32 $0x1B8E;
	s24 =	sld [smem:$0x3FFE];
	[sflag:s23] =	ssyncadd.s32 $0xFFFFFFFF  }
0xa6: {  	s26 =	simm.s32 $execute0_lowered;
	[smem:$0x3FD2] =	sst s25  }
0xa7: {  	s6 =	sshll.u32 s26, $0x1;
	_ =	strace $0x80000046;
	[dreg:$0x1] =	wrdreg $0xFFFFFFFF  }
0xa8: {  	s28 =	simm.s32 $_size_execute0_lowered;
	s4 =	sadd.s32 s4, s6;
	[dreg:$0x0] =	wrdreg $0x0  }
0xa9: {  	s6 =	sshll.u32 s28, $0x1;
	[dreg:$0x2] =	wrdreg s4  }
0xaa: {  	[dreg:$0x3] =	wrdreg s6  }
0xab: {  	[dreg:$0x4] =	wrdreg $0xC0  }
0xac: {  	_ =	task [dreg:s8], $0x5FFFF  }
0xad: {  	[dreg:$0x1] =	wrdreg $0xFFFFFFFF  }
0xae: {  	[dreg:$0x0] =	wrdreg $0x60  }
0xaf: {  	[dreg:$0x2] =	wrdreg s2  }
0xb0: {  	[dreg:$0x3] =	wrdreg s24  }
0xb1: {  	[dreg:$0x4] =	wrdreg s18  }
0xb2: {  	[dreg:$0x5] =	wrdreg $0x80800  }
0xb3: {  	[dreg:$0x6] =	wrdreg $0x9  }
0xb4: {  	_ =	task.clear_ibuf [dreg:s8], $0x7FFFF;
	_ =	strace $0x90000046  }
0xb5: {  	s29 =	simm.s32 $0x9;
	_ =	strace $0x80000048  }
0xb6: {  	_ =	swait.ge [sflag:s29], $0x1  }
0xb7: {  	[sflag:s29] =	ssyncadd.s32 $0xFFFFFFFF  }
0xb8: {  	_ =	strace $0x90000048  }
0xb9: {  	_ =	sfence  }
0xba: {  	s30 =	sld [smem:$0x0];
	_ =	sdelay $0x2  }
0xbb: {  	s31 =	sshll.u32 s1, $0xD;
	s1 =	sshrl.u32 s1, $0x2  }
0xbc: {  	s3 =	sand.u32 $0x4000, s31;
	s1 =	sadd.s32 s1, s30  }
0xbd: {  	s0 =	sor.u32 s3, s0;
	s1 =	sshll.u32 s1, $0x11  }
0xbe: {  	s0 =	sor.u32 s1, s0  }
0xbf: {  	s0 =	sadd.s32 $0x8F2B, s0  }
0xc0: {  	[sflag:s0] =	ssyncadd.remote.s32 $0x1  }
0xc1: {  	_ =	sfence.sel $0xFFFF  }
0xc2: {  	[dreg:$0x0] =	wrdreg $0xFFFFFFFF;
	(pc) =	sbr.abs _section_cstart, $3  }
0xc3: {  	[dreg:$0x1] =	wrdreg $0xFFFFFFFF  }
0xc4: {  	_ =	task.clear_ibuf [dreg:s8], $0x2FFFF;
	_ =	strace $0x9FFFFFFF  }
0xc5: {  	(tm) =	ssettm $0x7FFFFFFF  }
tec
execute0_lowered:
.L_overlay_start_1:
0x0: {  	(tag) =	ssettag $0x1  }
0x1: {  	s5 =	rddreg [dreg:$0x0]  }
0x2: {  	s3 =	rddreg [dreg:$0x1]  }
0x3: {  	s10 =	rddreg [dreg:$0x2]  }
0x4: {  	s0 =	srdreg.scid;
	s1 =	rddreg [dreg:$0x3]  }
0x5: {  	s12 =	stileid.u32;
	s2 =	simm.s32 $0x0;
	s15 =	simm.s32 $0x50  }
0x6: {  	s16 =	simm.s32 $0x7800;
	s6 =	sand.u32 $0x1, s0;
	s0 =	rddreg [dreg:$0x4]  }
0x7: {  	s17 =	simm.s32 $0x0;
	[smem:$0x7FF] =	sst s2;
	s3 =	sadd.s32 $0xE00, s3  }
0x8: {  	s9 =	sadd.s32 $0x2000, s1;
	p0 =	sne.s32 s12, $0x0;
	s4 =	sshll.u32 s6, $0x4  }
0x9: {  	s31 =	ssub.s32 $0x2, s6;
	_ =	strace $0x80000047;
	s14 =	smul.u32 $0x500, s6  }
0xa: {  	s6 =	sadd.s32 $0x800, s1;
	s13 =	sor.u32 s12, s4;
	s8 =	sshrl.u32 s31, $0x1  }
0xb: {  	s12 =	simm.s32 $0x7880;
	s7 =	smul.u32 $0xA00, s13;
	s11 =	ssub.s32 s31, s8  }
0xc: {  	v0 =	vlaneseq.u32;
	s8 =	sadd.s32 $0x1800, s1;
	s10 =	sadd.s32 s10, s14;
	p1 =	seq.s32 s13, $0x1F  }
0xd: {  	v5 =	vimm.f32 $0.0e+00;
	v1 =	vor.u32 $0x10, v0;
	s13 =	simm.s32 $0x1;
	s14 =	simm.s32 $0x5000;
	s11 =	smax.u32 s11, $0x1  }
0xe: {  	v2 =	vor.u32 $0x20, v0;
	v3 =	vor.u32 $0x30, v0;
	v4 =	vor.u32 $0x40, v0;
	s4 =	sadd.s32 s5, s7;
	s5 =	sadd.s32 $0x13600, s5;
	s7 =	sadd.s32 $0x1000, s1  }
.LBB2_1:
0xf: {  	s18 =	simm.s32 @p1 $0x0;
	s19 =	simm.s32 @p1 $0x1  }
0x10: {  	[tilespmem:s18], [sflag:$0x1] =	stream.linear.gather @p1 [hbm4b:s5+s18], $0x1400, $0x38;
	[tilespmem:$0x8300] =	vst v63  }
0x11: {  	_ =	swait.ge @p1 [sflag:s19], $0x1400  }
0x12: {  	[sflag:s19] =	ssyncset.done @p1 $0x0  }
0x13: {  	s20 =	simm.s32 @p1 $0x1400;
	[sflag:s19] =	ssyncadd.s32 @p1 $0xFFFFEC00  }
0x14: {  	[tilespmem:s20], [sflag:$0x1] =	stream.linear.gather @p1 [hbm4b:s3+s18], $0x3C00, $0x38;
	[tilespmem:$0x8300] =	vst v63  }
0x15: {  	_ =	swait.ge @p1 [sflag:s19], $0x3C00  }
0x16: {  	[sflag:s19] =	ssyncset.done @p1 $0x0  }
0x17: {  	s18 =	simm.s32 @!p1 $0x0;
	[sflag:s19] =	ssyncadd.s32 @p1 $0xFFFFC400  }
0x18: {  	[tilespmem:s18], [sflag:$0x1] =	stream.linear.gather @!p1 [hbm4b:s4+s18], $0x5000, $0x38;
	[tilespmem:$0x8300] =	vst v63  }
0x19: {  	s18 =	simm.s32 @!p1 $0x1  }
0x1a: {  	_ =	swait.ge @!p1 [sflag:s18], $0x5000  }
0x1b: {  	[sflag:s18] =	ssyncset.done @!p1 $0x0  }
0x1c: {  	[sflag:s18] =	ssyncadd.s32 @!p1 $0xFFFFB000  }
.Ltmp0:
0x1d: {  	[tilespmem:$0x7800] =	vst v0;
	(pc) =	sbr.rel @p0 .LBB2_5-.Ltmp0, $4  }
0x1e: {  	[tilespmem:$0x7810] =	vst v1  }
0x1f: {  	[tilespmem:$0x7820] =	vst v2  }
0x20: {  	[tilespmem:$0x7830] =	vst v3  }
0x21: {  	[tilespmem:$0x7840] =	vst v4  }
0x22: {  	s18 =	sshra.s32 s2, $0x2;
	s19 =	sadd.s32 $0x200, s2  }
.LBB2_3:
0x23: {  	p2 =	sne.s32 s19, $0x1E00;
	[tilespmem:s18+$0x78F0] =	vst v5  }
0x24: {  	[tilespmem:s18+$0x7880] =	vst v5  }
0x25: {  	[tilespmem:s18+$0x7890] =	vst v5  }
.Ltmp1:
0x26: {  	[tilespmem:s18+$0x78A0] =	vst v5;
	(pc) =	sbr.rel @p2 .LBB2_3-.Ltmp1, $4  }
0x27: {  	[tilespmem:s18+$0x78B0] =	vst v5  }
0x28: {  	[tilespmem:s18+$0x78C0] =	vst v5  }
0x29: {  	[tilespmem:s18+$0x78D0] =	vst v5  }
0x2a: {  	[tilespmem:s18+$0x78E0] =	vst v5;
	s18 =	sshra.s32 s19, $0x2;
	s19 =	sadd.s32 $0x200, s19  }
0x2b: {  	[tilespmem:s18+$0x78F0] =	vst v5  }
0x2c: {  	[tilespmem:s18+$0x7880] =	vst v5  }
0x2d: {  	[tilespmem:s18+$0x7890] =	vst v5  }
0x2e: {  	[tilespmem:s18+$0x78A0] =	vst v5  }
0x2f: {  	[tilespmem:s18+$0x78B0] =	vst v5  }
0x30: {  	[tilespmem:s18+$0x78C0] =	vst v5  }
0x31: {  	[tilespmem:s18+$0x78D0] =	vst v5  }
0x32: {  	[tilespmem:s18+$0x78E0] =	vst v5  }
0x33: {  	[spmem:s1] =	stream.linear.scatter [tilespmem:s12], [sflag:$0x1], $0x800, $0x38;
	[tilespmem:$0x8300] =	vst v63  }
0x34: {  	_ =	swait.ge [sflag:s13], $0x800  }
0x35: {  	[sflag:s13] =	ssyncset.done $0x0  }
0x36: {  	[sflag:s13] =	ssyncadd.s32 $0xFFFFF800  }
0x37: {  	[spmem:s6] =	stream.linear.scatter [tilespmem:s12], [sflag:$0x1], $0x800, $0x38;
	[tilespmem:$0x8300] =	vst v63  }
0x38: {  	_ =	swait.ge [sflag:s13], $0x800  }
0x39: {  	[sflag:s13] =	ssyncset.done $0x0  }
0x3a: {  	[sflag:s13] =	ssyncadd.s32 $0xFFFFF800  }
0x3b: {  	[spmem:s7] =	stream.linear.scatter [tilespmem:s12], [sflag:$0x1], $0x800, $0x38;
	[tilespmem:$0x8300] =	vst v63  }
0x3c: {  	_ =	swait.ge [sflag:s13], $0x800  }
0x3d: {  	[sflag:s13] =	ssyncset.done $0x0  }
0x3e: {  	[sflag:s13] =	ssyncadd.s32 $0xFFFFF800  }
0x3f: {  	[spmem:s8] =	stream.linear.scatter [tilespmem:s12], [sflag:$0x1], $0x800, $0x38;
	[tilespmem:$0x8300] =	vst v63  }
0x40: {  	_ =	swait.ge [sflag:s13], $0x800  }
0x41: {  	[sflag:s13] =	ssyncset.done $0x0  }
0x42: {  	[sflag:s13] =	ssyncadd.s32 $0xFFFFF800  }
0x43: {  	[spmem:s9] =	stream.linear.scatter [tilespmem:s12], [sflag:$0x1], $0x800, $0x38;
	[tilespmem:$0x8300] =	vst v63  }
0x44: {  	_ =	swait.ge [sflag:s13], $0x800  }
0x45: {  	[sflag:s13] =	ssyncset.done $0x0  }
0x46: {  	[sflag:s13] =	ssyncadd.s32 $0xFFFFF800  }
.LBB2_5:
0x47: {  	s18 =	simm.s32 $0x0;
	s19 =	simm.s32 $0x0;
	s20 =	simm.s32 $0x200  }
.LBB2_6:
0x48: {  	p2 =	sne.s32 s20, $0x9E00;
	[tilespmem:s19+$0x5070] =	vst v5  }
0x49: {  	[tilespmem:s19+$0x5000] =	vst v5  }
0x4a: {  	[tilespmem:s19+$0x5010] =	vst v5  }
.Ltmp2:
0x4b: {  	[tilespmem:s19+$0x5020] =	vst v5;
	(pc) =	sbr.rel @p2 .LBB2_6-.Ltmp2, $4  }
0x4c: {  	[tilespmem:s19+$0x5030] =	vst v5  }
0x4d: {  	[tilespmem:s19+$0x5040] =	vst v5  }
0x4e: {  	[tilespmem:s19+$0x5050] =	vst v5  }
0x4f: {  	[tilespmem:s19+$0x5060] =	vst v5;
	s19 =	sshra.s32 s20, $0x2;
	s20 =	sadd.s32 $0x200, s20  }
0x50: {  	[tilespmem:s19+$0x5070] =	vst v5  }
0x51: {  	[tilespmem:s19+$0x5000] =	vst v5  }
0x52: {  	[tilespmem:s19+$0x5010] =	vst v5  }
0x53: {  	[tilespmem:s19+$0x5020] =	vst v5  }
0x54: {  	[tilespmem:s19+$0x5030] =	vst v5  }
0x55: {  	[tilespmem:s19+$0x5040] =	vst v5  }
0x56: {  	[tilespmem:s19+$0x5050] =	vst v5  }
0x57: {  	[tilespmem:s19+$0x5060] =	vst v5  }
.LBB2_8:
0x58: {  	s19 =	sshra.s32 s18, $0x2  }
0x59: {  	v6 =	vld [tilespmem:s19+$0x0];
	_ =	sdelay $0x4  }
0x5a: {  	(xrf1) =	vunique.msk.u32 $0xffff, v6;
	_ =	sdelay $0xd  }
0x5b: {  	_, v7, vm0 =	vpop (xrf1);
	_ =	sdelay $0x3  }
0x5c: {  	v7 =	vcvt.s32.f32 v7;
	_ =	sdelay $0x1  }
0x5d: {  	[tilespmem:v6+s14+$0x0] =	vst.idx.add.f32.msk vm0, v7  }
0x5e: {  	v6 =	vld [tilespmem:s19+$0x10];
	_ =	sdelay $0x4  }
0x5f: {  	(xrf1) =	vunique.msk.u32 $0xffff, v6;
	_ =	sdelay $0xd  }
0x60: {  	_, v7, vm0 =	vpop (xrf1);
	_ =	sdelay $0x3  }
0x61: {  	v7 =	vcvt.s32.f32 v7;
	_ =	sdelay $0x1  }
0x62: {  	[tilespmem:v6+s14+$0x0] =	vst.idx.add.f32.msk vm0, v7  }
0x63: {  	v6 =	vld [tilespmem:s19+$0x20];
	_ =	sdelay $0x4  }
0x64: {  	(xrf1) =	vunique.msk.u32 $0xffff, v6;
	_ =	sdelay $0xd  }
0x65: {  	_, v7, vm0 =	vpop (xrf1);
	_ =	sdelay $0x3  }
0x66: {  	v7 =	vcvt.s32.f32 v7;
	_ =	sdelay $0x1  }
0x67: {  	[tilespmem:v6+s14+$0x0] =	vst.idx.add.f32.msk vm0, v7  }
0x68: {  	v6 =	vld [tilespmem:s19+$0x30];
	_ =	sdelay $0x4  }
0x69: {  	(xrf1) =	vunique.msk.u32 $0xffff, v6;
	_ =	sdelay $0xd  }
0x6a: {  	_, v7, vm0 =	vpop (xrf1);
	_ =	sdelay $0x3  }
0x6b: {  	v7 =	vcvt.s32.f32 v7;
	_ =	sdelay $0x1  }
0x6c: {  	[tilespmem:v6+s14+$0x0] =	vst.idx.add.f32.msk vm0, v7  }
0x6d: {  	v6 =	vld [tilespmem:s19+$0x40];
	_ =	sdelay $0x4  }
0x6e: {  	(xrf1) =	vunique.msk.u32 $0xffff, v6;
	_ =	sdelay $0xd  }
0x6f: {  	_, v7, vm0 =	vpop (xrf1);
	_ =	sdelay $0x3  }
0x70: {  	v7 =	vcvt.s32.f32 v7;
	_ =	sdelay $0x1  }
0x71: {  	[tilespmem:v6+s14+$0x0] =	vst.idx.add.f32.msk vm0, v7  }
0x72: {  	v6 =	vld [tilespmem:s19+$0x50];
	_ =	sdelay $0x4  }
0x73: {  	(xrf1) =	vunique.msk.u32 $0xffff, v6;
	_ =	sdelay $0xd  }
0x74: {  	_, v7, vm0 =	vpop (xrf1);
	_ =	sdelay $0x3  }
0x75: {  	v7 =	vcvt.s32.f32 v7;
	_ =	sdelay $0x1  }
0x76: {  	[tilespmem:v6+s14+$0x0] =	vst.idx.add.f32.msk vm0, v7  }
0x77: {  	v6 =	vld [tilespmem:s19+$0x60];
	_ =	sdelay $0x4  }
0x78: {  	(xrf1) =	vunique.msk.u32 $0xffff, v6;
	_ =	sdelay $0xd  }
0x79: {  	_, v7, vm0 =	vpop (xrf1);
	_ =	sdelay $0x3  }
0x7a: {  	v7 =	vcvt.s32.f32 v7;
	_ =	sdelay $0x1  }
0x7b: {  	[tilespmem:v6+s14+$0x0] =	vst.idx.add.f32.msk vm0, v7  }
0x7c: {  	v6 =	vld [tilespmem:s19+$0x70];
	_ =	sdelay $0x4  }
0x7d: {  	(xrf1) =	vunique.msk.u32 $0xffff, v6;
	_ =	sdelay $0xd  }
0x7e: {  	_, v7, vm0 =	vpop (xrf1)  }
0x7f: {  	p2 =	sne.s32 s18, $0x13C00  }
.Ltmp3:
0x80: {  	_ = 	snop;
	(pc) =	sbr.rel @p2 .LBB2_8-.Ltmp3, $3  }
0x81: {  	_ = 	snop  }
0x82: {  	v7 =	vcvt.s32.f32 v7;
	_ =	sdelay $0x1  }
0x83: {  	s18 =	sadd.s32 $0x400, s18;
	[tilespmem:v6+s14+$0x0] =	vst.idx.add.f32.msk vm0, v7  }
0x84: {  	[bflag:$0x0] =	sbarrier.arrive $0xFFFF  }
0x85: {  	[spmem:s1] =	stream.indirect.scatter.add.f32 [tilespmem:s14], [sflag:$0x1], $0x80, s16, s15, $0xb8;
	[tilespmem:$0x8300] =	vst v63  }
0x86: {  	_ =	swait.ge [sflag:s13], $0x2800  }
0x87: {  	[sflag:s13] =	ssyncset.done $0x0  }
0x88: {  	s18 =	sshrl.u32 @!p0 s1, $0x3;
	s17 =	sadd.s32 $0x1, s17;
	[sflag:s13] =	ssyncadd.s32 $0xFFFFD800  }
0x89: {  	s19 =	simm.s32 @!p0 $0x1C01;
	p2 =	sne.s32 s17, s11;
	[bflag:$0x0] =	sbarrier.arrive $0xFFFF  }
0x8a: {  	[hbm:s10], [sflag:s19] =	dma.local @!p0 [spmem:s18], $0x500  }
.Ltmp4:
0x8b: {  	_ = 	snop;
	(pc) =	sbr.rel @p2 .LBB2_1-.Ltmp4, $4  }
0x8c: {  	s18 =	simm.s32 @!p0 $0x1  }
0x8d: {  	_ =	swait.ge @!p0 [sflag:s18], $0x500  }
0x8e: {  	[sflag:s18] =	ssyncset.done @!p0 $0x0  }
0x8f: {  	[sflag:s18] =	ssyncadd.s32 @!p0 $0xFFFFFB00  }
0x90: {  	_ =	sfence.sel $0x180000  }
0x91: {  	[bflag:$0x0] =	sbarrier.arrive $0xFFFF  }
0x92: {  	_ =	strace $0x90000047  }
0x93: {  	s0 =	sadd.s32 @!p0 $0x100000, s0;
	[bflag:$0x2] =	sbarrier.arrive $0xFFFF  }
0x94: {  	[sflag:s0] =	ssyncadd.tile.s32 @!p0 $0x1;
	_ =	shalt  }
.Lfunc_end2:
_tile_overlayer_lowered:
.L_overlay_start_2:
0x95: {  	(tag) =	ssettag $0x2  }
0x96: {  	s0 =	rddreg [dreg:$0x0];
	s2 =	stileid.u32  }
0x97: {  	s1 =	rddreg [dreg:$0x1];
	p0 =	sne.s32 s2, $0x0  }
0x98: {  	s3 =	rddreg [dreg:$0x2];
	[bflag:$0x3] =	sbarrier.arrive $0xFFFF;
	s2 =	simm.s32 @!p0 $0x1C01  }
0x99: {  	[timem:s3], [sflag:s2] =	dma.local @!p0 [hbm:s0], s1  }
0x9a: {  	s0 =	simm.s32 @!p0 $0x1  }
0x9b: {  	_ =	swait.ge @!p0 [sflag:s0], s1  }
0x9c: {  	s1 =	ssub.s32 @!p0 $0x0, s1;
	[sflag:s0] =	ssyncset.done @!p0 $0x0  }
0x9d: {  	[sflag:s0] =	ssyncadd.s32 @!p0 s1  }
0x9e: {  	[bflag:$0x3] =	sbarrier.arrive $0xFFFF  }
0x9f: {  	_ =	shalt  }

// kernel: kernel.9.cloned.1.call-start
scs
__scs_entry_jumppad:
0x0: {  	(pc) =	sbr.rel $0x88, $3  }
0x1: {  	(tag) =	ssettag $0x0;
	lr =	simm.s32 $0x1  }
0x2: {  	[smem:$0x3F9F] =	sst lr;
	_ =	strace $0xD0000000  }
0x3: {  	_ = 	snop  }
0x4: {  	_ = 	snop  }
0x5: {  	_ = 	snop  }
0x6: {  	_ = 	snop  }
0x7: {  	_ = 	snop  }
__scs_overlays_trampoline_lowered:
0x8: {  	[smem:$0x3FAE] =	sst s0  }
0x9: {  	[smem:$0x3FAF] =	sst s1  }
0xa: {  	[smem:$0x3FB0] =	sst s2  }
0xb: {  	[smem:$0x3FB1] =	sst s3  }
0xc: {  	[smem:$0x3FB2] =	sst s4  }
0xd: {  	[smem:$0x3FB3] =	sst s5  }
0xe: {  	[smem:$0x3FB4] =	sst s6  }
0xf: {  	[smem:$0x3FB5] =	sst s7  }
0x10: {  	[smem:$0x3FB6] =	sst s8  }
0x11: {  	[smem:$0x3FB7] =	sst s9;
	s0 =	simm.s32 @!p0 $0x0  }
0x12: {  	s1 =	sld [smem:$0x3F9D];
	s0 =	simm.s32 @p0 $0x1  }
0x13: {  	[smem:$0x3FB8] =	sst s0;
	s0 =	simm.s32 @!p1 $0x0  }
0x14: {  	s2 =	sld [smem:$0x3F9C];
	s0 =	simm.s32 @p1 $0x1  }
0x15: {  	[smem:$0x3FB9] =	sst s0;
	s0 =	simm.s32 @!p2 $0x0  }
0x16: {  	s3 =	sld [smem:$0x3FDB];
	s0 =	simm.s32 @p2 $0x1  }
0x17: {  	s4 =	simm.s32 $0x1BF5;
	[smem:$0x3FBB] =	sst s0  }
0x18: {  	s0 =	sld [smem:$0x3F9E];
	_ =	swait.ge [sflag:s4], $0x0  }
0x19: {  	s7 =	sld [smem:$0x3F9F]  }
0x1a: {  	s8 =	sadd.s32 $0xFFFFE003, lr  }
0x1b: {  	s9 =	sadd.s32 $0xFFFFFEF7, lr;
	s5 =	simm.s32 $0xFFFFFFFF;
	p2 =	slt.u32 s8, $0xFFFFF086  }
0x1c: {  	p1 =	slt.u32 s9, $0xF7A;
	s5 =	simm.s32 @!p2 $0x0  }
0x1d: {  	s5 =	simm.s32 @p1 $0x1;
	p0 =	seq.s32 s7, s2  }
0x1e: {  	s7 =	smul.u32 @!p0 $0xF7A, s2;
	p2 =	seq.s32 @!p0 s5, $0x0  }
0x1f: {  	s9 =	smul.u32 $0xF7A, s1;
	s8 =	simm.s32 @!p0 $0x1BF5;
	p2 =	por !p2, p0  }
0x20: {  	[sflag:s8] =	ssyncset.s32 @!p0 $0xFFFFF086;
	s6 =	sadd.s32 @!p0 s3, s7;
	s7 =	simm.s32 @!p0 $0x108  }
0x21: {  	s3 =	sadd.s32 s3, s9;
	s6 =	sadd.s32 @!p0 $0x88, s6;
	s7 =	simm.s32 @p2 $0x1082  }
0x22: {  	[simem:s7], [sflag:s8] =	dma.local @!p0 [hbm:s6], $0xF7A  }
0x23: {  	s9 =	sor.u32 $0xD0000000, s2;
	s6 =	simm.s32 $0x108;
	_ =	swait.ge @!p0 [sflag:s8], $0x0  }
0x24: {  	s3 =	sadd.s32 $0x88, s3;
	s6 =	simm.s32 @!p1 $0x1082;
	[sflag:s4] =	ssyncset.s32 $0xFFFFF086  }
0x25: {  	[simem:s6], [sflag:s4] =	dma.local [hbm:s3], $0xF7A  }
0x26: {  	[smem:$0x3F9F] =	sst s1;
	(tag) =	ssettag s2;
	_ =	strace s9  }
0x27: {  	s1 =	sld [smem:$0x3FAF]  }
0x28: {  	s2 =	sld [smem:$0x3FB0]  }
0x29: {  	s4 =	sld [smem:$0x3FB2]  }
0x2a: {  	p0 =	seq.s32 s5, $0x0;
	s5 =	sld [smem:$0x3FB3]  }
0x2b: {  	s6 =	sld [smem:$0x3FB4]  }
0x2c: {  	s7 =	sld [smem:$0x3FB5]  }
0x2d: {  	s3 =	simm.s32 $0x108;
	s8 =	sld [smem:$0x3FB6]  }
0x2e: {  	s3 =	simm.s32 @!p0 $0x1082;
	s9 =	sld [smem:$0x3FB7]  }
0x2f: {  	lr =	sadd.s32 s0, s3;
	s0 =	sld [smem:$0x3FAE]  }
0x30: {  	s3 =	sld [smem:$0x3FB1]  }
0x31: {  	[smem:$0x3FBA] =	sst s10  }
0x32: {  	s10 =	sld [smem:$0x3FB8];
	_ =	sdelay $0x3  }
0x33: {  	p0 =	seq.s32 s10, $0x1;
	s10 =	sld [smem:$0x3FBA];
	_ =	sdelay $0x3  }
0x34: {  	[smem:$0x3FBA] =	sst s10  }
0x35: {  	s10 =	sld [smem:$0x3FB9];
	_ =	sdelay $0x3  }
0x36: {  	p1 =	seq.s32 s10, $0x1;
	s10 =	sld [smem:$0x3FBA];
	_ =	sdelay $0x3  }
0x37: {  	[smem:$0x3FBA] =	sst s10  }
0x38: {  	s10 =	sld [smem:$0x3FBB]  }
0x39: {  	_ = 	snop;
	(pc) =	sbr.ind lr, $3  }
0x3a: {  	_ = 	snop  }
0x3b: {  	_ = 	snop  }
0x3c: {  	p2 =	seq.s32 s10, $0x1;
	s10 =	sld [smem:$0x3FBA]  }
0x3d: {  	_ =	shalt  }
0x3e: {  	_ =	shalt  }
0x3f: {  	_ =	shalt  }
0x40: {  	_ =	shalt  }
0x41: {  	_ =	shalt  }
0x42: {  	_ =	shalt  }
0x43: {  	_ =	shalt  }
0x44: {  	_ =	shalt  }
0x45: {  	_ =	shalt  }
0x46: {  	_ =	shalt  }
0x47: {  	_ =	shalt  }
0x48: {  	_ =	shalt  }
0x49: {  	_ =	shalt  }
0x4a: {  	_ =	shalt  }
0x4b: {  	_ =	shalt  }
0x4c: {  	_ =	shalt  }
0x4d: {  	_ =	shalt  }
0x4e: {  	_ =	shalt  }
0x4f: {  	_ =	shalt  }
0x50: {  	_ =	shalt  }
0x51: {  	_ =	shalt  }
0x52: {  	_ =	shalt  }
0x53: {  	_ =	shalt  }
0x54: {  	_ =	shalt  }
0x55: {  	_ =	shalt  }
0x56: {  	_ =	shalt  }
0x57: {  	_ =	shalt  }
0x58: {  	_ =	shalt  }
0x59: {  	_ =	shalt  }
0x5a: {  	_ =	shalt  }
0x5b: {  	_ =	shalt  }
0x5c: {  	_ =	shalt  }
0x5d: {  	_ =	shalt  }
0x5e: {  	_ =	shalt  }
0x5f: {  	_ =	shalt  }
0x60: {  	_ =	shalt  }
0x61: {  	_ =	shalt  }
0x62: {  	_ =	shalt  }
0x63: {  	_ =	shalt  }
0x64: {  	_ =	shalt  }
0x65: {  	_ =	shalt  }
0x66: {  	_ =	shalt  }
0x67: {  	_ =	shalt  }
0x68: {  	_ =	shalt  }
0x69: {  	_ =	shalt  }
0x6a: {  	_ =	shalt  }
0x6b: {  	_ =	shalt  }
0x6c: {  	_ =	shalt  }
0x6d: {  	_ =	shalt  }
0x6e: {  	_ =	shalt  }
0x6f: {  	_ =	shalt  }
0x70: {  	_ =	shalt  }
0x71: {  	_ =	shalt  }
0x72: {  	_ =	shalt  }
0x73: {  	_ =	shalt  }
0x74: {  	_ =	shalt  }
0x75: {  	_ =	shalt  }
0x76: {  	_ =	shalt  }
0x77: {  	_ =	shalt  }
0x78: {  	_ =	shalt  }
0x79: {  	_ =	shalt  }
0x7a: {  	_ =	shalt  }
0x7b: {  	_ =	shalt  }
0x7c: {  	_ =	shalt  }
0x7d: {  	_ =	shalt  }
0x7e: {  	_ =	shalt  }
0x7f: {  	_ =	shalt  }
0x80: {  	_ =	shalt  }
0x81: {  	_ =	shalt  }
0x82: {  	_ =	shalt  }
0x83: {  	_ =	shalt  }
0x84: {  	_ =	shalt  }
0x85: {  	_ =	shalt  }
0x86: {  	_ =	shalt  }
0x87: {  	_ =	shalt  }
.Lfunc_end0:
.L_simem_size_0:
called_computation.1_lowered:
.L_overlay_start_0:
0x88: {  	s2 =	sld [smem:$0x3FD9]  }
0x89: {  	s3 =	sld [smem:$0x3FFE];
	_ =	sdelay $0x1  }
0x8a: {  	s1 =	srdreg.scid  }
0x8b: {  	s0 =	sand.u32 $0x1, s1  }
0x8c: {  	s17 =	sshll.u32 s0, $0xA;
	s2 =	sadd.s32 s3, s2  }
0x8d: {  	s2 =	sadd.s32 s2, s17  }
0x8e: {  	[smem:$0x3FC6] =	sst s2  }
0x8f: {  	_ = 	snop  }
0x90: {  	s2 =	sld [smem:$0x3FC8]  }
0x91: {  	s18 =	sld [smem:$0x3FD0];
	(tm) =	ssettm $0x1  }
0x92: {  	s4 =	sld [smem:$0x3FFB];
	_ =	sdelay $0x3  }
0x93: {  	_ =	strace s4  }
0x94: {  	s4 =	sld [smem:$0x3FFC];
	_ =	sdelay $0x3  }
0x95: {  	_ =	strace s4  }
0x96: {  	s4 =	sld [smem:$0x3FFD];
	_ =	sdelay $0x3  }
0x97: {  	_ =	strace s4  }
0x98: {  	_ =	strace $0x8FFFFFFF  }
0x99: {  	s19 =	sld [smem:$0x3FDB];
	_ =	sdelay $0x1  }
0x9a: {  	s5 =	simm.s32 $_scs_section_size  }
0x9b: {  	s6 =	simm.s32 $_size__tile_overlayer_lowered;
	s7 =	simm.s32 $_tile_overlayer_lowered  }
0x9c: {  	s22 =	simm.s32 $0x1BFF;
	s21 =	sshll.u32 s7, $0x1;
	s4 =	sadd.s32 s5, s19  }
0x9d: {  	s8 =	simm.s32 $0x0;
	s20 =	sshll.u32 s6, $0x1;
	s6 =	sadd.s32 s21, s4  }
0x9e: {  	[timem:s8], [sflag:s22] =	dma.local [hbm:s6], s20  }
0x9f: {  	_ =	swait.ge [sflag:s22], s20  }
0xa0: {  	s5 =	ssub.s32 $0x0, s20;
	[sflag:s22] =	ssyncset.done $0x0  }
0xa1: {  	[sflag:s22] =	ssyncadd.s32 s5;
	_ =	sdelay $0x1  }
0xa2: {  	s23 =	simm.s32 $0x1B8B  }
0xa3: {  	_ =	swait.ge [sflag:s23], $0x1  }
0xa4: {  	[sflag:s23] =	ssyncset.done $0x0  }
0xa5: {  	s25 =	simm.s32 $0x1B8E;
	s24 =	sld [smem:$0x3FFE];
	[sflag:s23] =	ssyncadd.s32 $0xFFFFFFFF  }
0xa6: {  	s26 =	simm.s32 $execute0_lowered;
	[smem:$0x3FD2] =	sst s25  }
0xa7: {  	s6 =	sshll.u32 s26, $0x1;
	_ =	strace $0x80000049;
	[dreg:$0x1] =	wrdreg $0xFFFFFFFF  }
0xa8: {  	s28 =	simm.s32 $_size_execute0_lowered;
	s4 =	sadd.s32 s4, s6;
	[dreg:$0x0] =	wrdreg $0x0  }
0xa9: {  	s6 =	sshll.u32 s28, $0x1;
	[dreg:$0x2] =	wrdreg s4  }
0xaa: {  	[dreg:$0x3] =	wrdreg s6  }
0xab: {  	[dreg:$0x4] =	wrdreg $0xC0  }
0xac: {  	_ =	task [dreg:s8], $0x5FFFF  }
0xad: {  	[dreg:$0x1] =	wrdreg $0xFFFFFFFF  }
0xae: {  	[dreg:$0x0] =	wrdreg $0x60  }
0xaf: {  	[dreg:$0x2] =	wrdreg s2  }
0xb0: {  	[dreg:$0x3] =	wrdreg s24  }
0xb1: {  	[dreg:$0x4] =	wrdreg s18  }
0xb2: {  	[dreg:$0x5] =	wrdreg $0xBC000  }
0xb3: {  	[dreg:$0x6] =	wrdreg $0x9  }
0xb4: {  	_ =	task.clear_ibuf [dreg:s8], $0x7FFFF;
	_ =	strace $0x90000049  }
0xb5: {  	s29 =	simm.s32 $0x9;
	_ =	strace $0x8000004B  }
0xb6: {  	_ =	swait.ge [sflag:s29], $0x1  }
0xb7: {  	[sflag:s29] =	ssyncadd.s32 $0xFFFFFFFF  }
0xb8: {  	_ =	strace $0x9000004B  }
0xb9: {  	_ =	sfence  }
0xba: {  	s30 =	sld [smem:$0x0];
	_ =	sdelay $0x2  }
0xbb: {  	s31 =	sshll.u32 s1, $0xD;
	s1 =	sshrl.u32 s1, $0x2  }
0xbc: {  	s3 =	sand.u32 $0x4000, s31;
	s1 =	sadd.s32 s1, s30  }
0xbd: {  	s0 =	sor.u32 s3, s0;
	s1 =	sshll.u32 s1, $0x11  }
0xbe: {  	s0 =	sor.u32 s1, s0  }
0xbf: {  	s0 =	sadd.s32 $0x8F2B, s0  }
0xc0: {  	[sflag:s0] =	ssyncadd.remote.s32 $0x1  }
0xc1: {  	_ =	sfence.sel $0xFFFF  }
0xc2: {  	[dreg:$0x0] =	wrdreg $0xFFFFFFFF;
	(pc) =	sbr.abs _section_cstart, $3  }
0xc3: {  	[dreg:$0x1] =	wrdreg $0xFFFFFFFF  }
0xc4: {  	_ =	task.clear_ibuf [dreg:s8], $0x2FFFF;
	_ =	strace $0x9FFFFFFF  }
0xc5: {  	(tm) =	ssettm $0x7FFFFFFF  }
tec
execute0_lowered:
.L_overlay_start_1:
0x0: {  	(tag) =	ssettag $0x1  }
0x1: {  	s8 =	rddreg [dreg:$0x0]  }
0x2: {  	s11 =	rddreg [dreg:$0x1]  }
0x3: {  	s1 =	rddreg [dreg:$0x2]  }
0x4: {  	s3 =	rddreg [dreg:$0x3]  }
0x5: {  	s0 =	rddreg [dreg:$0x4];
	s4 =	simm.s32 $0x0  }
0x6: {  	s2 =	stileid.u32;
	s5 =	srdreg.scid;
	s17 =	simm.s32 $0x7C00  }
0x7: {  	s18 =	simm.s32 $0x1;
	s19 =	simm.s32 $0x2;
	s20 =	simm.s32 $0x2780  }
0x8: {  	s21 =	simm.s32 $0x3B00;
	s22 =	simm.s32 $0x3B80;
	[smem:$0x7FF] =	sst s4  }
0x9: {  	s6 =	smul.u32 $0x14000, s2;
	s7 =	sand.u32 $0x1, s5;
	s5 =	sadd.s32 $0x1600, s11  }
0xa: {  	s16 =	smul.u32 $0x50000, s2;
	s31 =	sshll.u32 s2, $0x6;
	_ =	strace $0x8000004A  }
0xb: {  	s10 =	smul.u32 $0x140000, s7;
	s12 =	sshll.u32 s7, $0x4;
	s7 =	ssub.s32 $0x2, s7  }
0xc: {  	s9 =	sshrl.u32 s6, $0x3;
	s12 =	sor.u32 s2, s12;
	s13 =	sshrl.u32 s7, $0x1  }
0xd: {  	s30 =	sshrl.u32 s16, $0x2;
	s16 =	simm.s32 $0x3;
	s28 =	smul.u32 $0xA00, s12  }
0xe: {  	s9 =	sadd.s32 s9, s11;
	s6 =	sadd.s32 s6, s10;
	s14 =	smul.u32 $0x5000, s12  }
0xf: {  	s13 =	ssub.s32 s7, s13;
	p0 =	seq.s32 s12, $0x1F;
	s7 =	sadd.s32 $0x13600, s8  }
0x10: {  	s6 =	sshrl.u32 s6, $0x3;
	s9 =	sadd.s32 $0x1E00, s9;
	s12 =	smax.u32 s13, $0x1  }
0x11: {  	s13 =	simm.s32 $0x80;
	s15 =	sadd.s32 s6, s11;
	s29 =	sshrl.u32 s14, $0x3  }
0x12: {  	s6 =	sadd.s32 s8, s28;
	s14 =	sadd.s32 $0x1880, s11;
	s10 =	sadd.s32 s8, s29  }
0x13: {  	s8 =	sadd.s32 s30, s3;
	s11 =	sadd.s32 $0x29E00, s15;
	s10 =	sadd.s32 $0x500, s10  }
0x14: {  	s15 =	sor.u32 $0x1C03, s31;
	s10 =	smov.u32 @p0 s14;
	s14 =	simm.s32 $0x3C00  }
.LBB2_1:
0x15: {  	s23 =	simm.s32 @p0 $0x0;
	s24 =	simm.s32 @p0 $0x3  }
0x16: {  	[tilespmem:s23], [sflag:$0x3] =	stream.linear.gather @p0 [hbm4b:s7+s23], $0x1400, $0x38;
	[tilespmem:$0x1FC00] =	vst v63  }
0x17: {  	_ =	swait.ge @p0 [sflag:s24], $0x1400  }
0x18: {  	[sflag:s24] =	ssyncset.done @p0 $0x0  }
0x19: {  	s25 =	simm.s32 @p0 $0x1400;
	[sflag:s24] =	ssyncadd.s32 @p0 $0xFFFFEC00  }
0x1a: {  	[tilespmem:s25], [sflag:$0x3] =	stream.linear.gather @p0 [hbm4b:s5+s23], $0x1400, $0x38;
	[tilespmem:$0x1FC00] =	vst v63  }
0x1b: {  	_ =	swait.ge @p0 [sflag:s24], $0x1400  }
0x1c: {  	[sflag:s24] =	ssyncset.done @p0 $0x0  }
0x1d: {  	s23 =	simm.s32 @!p0 $0x0;
	[sflag:s24] =	ssyncadd.s32 @p0 $0xFFFFEC00  }
0x1e: {  	[tilespmem:s23], [sflag:$0x3] =	stream.linear.gather @!p0 [hbm4b:s6+s23], $0x2800, $0x38;
	[tilespmem:$0x1FC00] =	vst v63  }
0x1f: {  	s23 =	simm.s32 @!p0 $0x3  }
0x20: {  	_ =	swait.ge @!p0 [sflag:s23], $0x2800  }
0x21: {  	[sflag:s23] =	ssyncset.done @!p0 $0x0  }
0x22: {  	s31 =	simm.s32 $0x0;
	[sflag:s23] =	ssyncadd.s32 @!p0 $0xFFFFD800  }
0x23: {  	v0 =	vld [tilespmem:s31+$0x0];
	_ =	sdelay $0x3  }
0x24: {  	s23 =	simm.s32 $0x2840  }
0x25: {  	[tilespmem:s23+$0xFFFFFFC0] =	vst v0  }
0x26: {  	v0 =	vld [tilespmem:s31+$0x10];
	_ =	sdelay $0x4  }
0x27: {  	[tilespmem:s23+$0xFFFFFFD0] =	vst v0  }
0x28: {  	v0 =	vld [tilespmem:s31+$0x20];
	_ =	sdelay $0x4  }
0x29: {  	[tilespmem:s23+$0xFFFFFFE0] =	vst v0  }
0x2a: {  	v0 =	vld [tilespmem:s31+$0x30];
	_ =	sdelay $0x4  }
0x2b: {  	[tilespmem:s23+$0xFFFFFFF0] =	vst v0  }
0x2c: {  	v0 =	vld [tilespmem:s31+$0x40];
	_ =	sdelay $0x4  }
0x2d: {  	[tilespmem:s23+$0x0] =	vst v0  }
0x2e: {  	v0 =	vld [tilespmem:s31+$0x50];
	_ =	sdelay $0x4  }
0x2f: {  	[tilespmem:s23+$0x10] =	vst v0  }
0x30: {  	v0 =	vld [tilespmem:s31+$0x60];
	_ =	sdelay $0x4  }
0x31: {  	[tilespmem:s23+$0x20] =	vst v0  }
0x32: {  	v0 =	vld [tilespmem:s31+$0x70];
	_ =	sdelay $0x4  }
0x33: {  	s25 =	simm.s32 $0x800;
	s24 =	simm.s32 $0x100;
	[tilespmem:s23+$0x30] =	vst v0  }
.LBB2_2:
0x34: {  	p1 =	sne.s32 s25, $0x9C00;
	v0 =	vld [tilespmem:s24+$0x0];
	_ =	sdelay $0x3  }
0x35: {  	s23 =	sadd.s32 $0x80, s23  }
0x36: {  	[tilespmem:s23+$0xFFFFFFC0] =	vst v0  }
0x37: {  	v0 =	vld [tilespmem:s24+$0x10];
	_ =	sdelay $0x4  }
0x38: {  	[tilespmem:s23+$0xFFFFFFD0] =	vst v0  }
0x39: {  	v0 =	vld [tilespmem:s24+$0x20];
	_ =	sdelay $0x4  }
0x3a: {  	[tilespmem:s23+$0xFFFFFFE0] =	vst v0  }
0x3b: {  	v0 =	vld [tilespmem:s24+$0x30];
	_ =	sdelay $0x4  }
0x3c: {  	[tilespmem:s23+$0xFFFFFFF0] =	vst v0  }
0x3d: {  	v0 =	vld [tilespmem:s24+$0x40];
	_ =	sdelay $0x4  }
0x3e: {  	[tilespmem:s23+$0x0] =	vst v0  }
0x3f: {  	v0 =	vld [tilespmem:s24+$0x50];
	_ =	sdelay $0x4  }
0x40: {  	[tilespmem:s23+$0x10] =	vst v0  }
0x41: {  	v0 =	vld [tilespmem:s24+$0x60];
	_ =	sdelay $0x4  }
0x42: {  	[tilespmem:s23+$0x20] =	vst v0  }
0x43: {  	v0 =	vld [tilespmem:s24+$0x70]  }
.Ltmp0:
0x44: {  	(pc) =	sbr.rel @p1 .LBB2_2-.Ltmp0, $2  }
0x45: {  	_ =	sdelay $0x2  }
0x46: {  	s24 =	sshra.s32 s25, $0x2;
	s25 =	sadd.s32 $0x400, s25;
	[tilespmem:s23+$0x30] =	vst v0  }
0x47: {  	v0 =	vld [tilespmem:s24+$0x0];
	_ =	sdelay $0x3  }
0x48: {  	s23 =	sadd.s32 $0x80, s23  }
0x49: {  	[tilespmem:s23+$0xFFFFFFC0] =	vst v0  }
0x4a: {  	v0 =	vld [tilespmem:s24+$0x10];
	_ =	sdelay $0x4  }
0x4b: {  	[tilespmem:s23+$0xFFFFFFD0] =	vst v0  }
0x4c: {  	v0 =	vld [tilespmem:s24+$0x20];
	_ =	sdelay $0x4  }
0x4d: {  	[tilespmem:s23+$0xFFFFFFE0] =	vst v0  }
0x4e: {  	v0 =	vld [tilespmem:s24+$0x30];
	_ =	sdelay $0x4  }
0x4f: {  	[tilespmem:s23+$0xFFFFFFF0] =	vst v0  }
0x50: {  	v0 =	vld [tilespmem:s24+$0x40];
	_ =	sdelay $0x4  }
0x51: {  	[tilespmem:s23+$0x0] =	vst v0  }
0x52: {  	v0 =	vld [tilespmem:s24+$0x50];
	_ =	sdelay $0x4  }
0x53: {  	[tilespmem:s23+$0x10] =	vst v0  }
0x54: {  	v0 =	vld [tilespmem:s24+$0x60];
	_ =	sdelay $0x4  }
0x55: {  	[tilespmem:s23+$0x20] =	vst v0  }
0x56: {  	v0 =	vld [tilespmem:s24+$0x70];
	_ =	sdelay $0x4  }
0x57: {  	[tilespmem:s23+$0x30] =	vst v0;
	s23 =	sshrl.u32 s8, $0x3  }
0x58: {  	[tilespmem:s14], [sflag:$0x1] =	stream.indirect.gather [hbm4b:s1+s13], $0x80, s13, s13, $0xb8;
	[tilespmem:$0x1FC00] =	vst v63  }
0x59: {  	[spmem:s23], [sflag:s15] =	dma.local [hbm:s9], $0x2800  }
0x5a: {  	_ =	swait.ge [sflag:s16], $0x2800  }
0x5b: {  	[sflag:s16] =	ssyncset.done $0x0  }
0x5c: {  	[sflag:s16] =	ssyncadd.s32 $0xFFFFD800  }
0x5d: {  	s24 =	simm.s32 $0x180;
	[bflag:$0x0] =	sbarrier.arrive $0xFFFF  }
0x5e: {  	[tilespmem:s17], [sflag:$0x2] =	stream.indirect.gather [hbm4b:s1+s13], $0x80, s24, s13, $0xb8;
	[tilespmem:$0x1FC00] =	vst v63  }
0x5f: {  	_ =	swait.ge [sflag:s18], $0x4000  }
0x60: {  	[sflag:s18] =	ssyncset.done $0x0  }
0x61: {  	s25 =	simm.s32 $0x2800;
	[sflag:s18] =	ssyncadd.s32 $0xFFFFC000  }
0x62: {  	[spmem:s3] =	stream.indirect.scatter.add.f32 [tilespmem:s14], [sflag:$0x3], $0x80, s25, s13, $0xb8;
	[tilespmem:$0x1FC00] =	vst v63  }
0x63: {  	_ =	swait.ge [sflag:s16], $0x4000  }
0x64: {  	[sflag:s16] =	ssyncset.done $0x0  }
0x65: {  	s30 =	simm.s32 $0x280;
	[sflag:s16] =	ssyncadd.s32 $0xFFFFC000  }
0x66: {  	[tilespmem:s14], [sflag:$0x1] =	stream.indirect.gather [hbm4b:s1+s13], $0x80, s30, s13, $0xb8;
	[tilespmem:$0x1FC00] =	vst v63  }
0x67: {  	_ =	swait.ge [sflag:s19], $0x4000  }
0x68: {  	[sflag:s19] =	ssyncset.done $0x0  }
0x69: {  	s31 =	simm.s32 $0x2880;
	[sflag:s19] =	ssyncadd.s32 $0xFFFFC000  }
0x6a: {  	[spmem:s3] =	stream.indirect.scatter.add.f32 [tilespmem:s17], [sflag:$0x3], $0x80, s31, s13, $0xb8;
	[tilespmem:$0x1FC00] =	vst v63  }
0x6b: {  	_ =	swait.ge [sflag:s16], $0x4000  }
0x6c: {  	s25 =	simm.s32 $0x400;
	[sflag:s16] =	ssyncset.done $0x0  }
.LBB2_4:
0x6d: {  	p1 =	sne.s32 s25, $0x4800;
	[sflag:s16] =	ssyncadd.s32 $0xFFFFC000;
	s24 =	sadd.s32 $0x200, s24  }
0x6e: {  	[tilespmem:s17], [sflag:$0x2] =	stream.indirect.gather [hbm4b:s1+s13], $0x80, s24, s13, $0xb8;
	[tilespmem:$0x1FC00] =	vst v63  }
0x6f: {  	s26 =	smov.u32 s25;
	s25 =	sadd.s32 $0x400, s25;
	_ =	swait.ge [sflag:s18], $0x4000  }
0x70: {  	s26 =	sshra.s32 s26, $0x2;
	[sflag:s18] =	ssyncset.done $0x0  }
0x71: {  	s28 =	sadd.s32 $0x2800, s26;
	[sflag:s18] =	ssyncadd.s32 $0xFFFFC000  }
0x72: {  	[spmem:s3] =	stream.indirect.scatter.add.f32 [tilespmem:s14], [sflag:$0x3], $0x80, s28, s13, $0xb8;
	[tilespmem:$0x1FC00] =	vst v63  }
0x73: {  	_ =	swait.ge [sflag:s16], $0x4000  }
0x74: {  	[sflag:s16] =	ssyncset.done $0x0  }
0x75: {  	s28 =	sadd.s32 $0x100, s24;
	[sflag:s16] =	ssyncadd.s32 $0xFFFFC000  }
0x76: {  	[tilespmem:s14], [sflag:$0x1] =	stream.indirect.gather [hbm4b:s1+s13], $0x80, s28, s13, $0xb8;
	[tilespmem:$0x1FC00] =	vst v63  }
0x77: {  	_ =	swait.ge [sflag:s19], $0x4000  }
.Ltmp1:
0x78: {  	[sflag:s19] =	ssyncset.done $0x0;
	(pc) =	sbr.rel @p1 .LBB2_4-.Ltmp1, $4  }
0x79: {  	s26 =	sadd.s32 $0x2880, s26;
	[sflag:s19] =	ssyncadd.s32 $0xFFFFC000  }
0x7a: {  	[spmem:s3] =	stream.indirect.scatter.add.f32 [tilespmem:s17], [sflag:$0x3], $0x80, s26, s13, $0xb8;
	[tilespmem:$0x1FC00] =	vst v63  }
0x7b: {  	_ =	swait.ge [sflag:s16], $0x4000  }
0x7c: {  	[sflag:s16] =	ssyncset.done $0x0  }
0x7d: {  	[sflag:s16] =	ssyncadd.s32 $0xFFFFC000  }
0x7e: {  	[tilespmem:s17], [sflag:$0x2] =	stream.indirect.gather [hbm4b:s1+s13], $0x80, s20, s13, $0xb8;
	[tilespmem:$0x1FC00] =	vst v63  }
0x7f: {  	_ =	swait.ge [sflag:s18], $0x4000  }
0x80: {  	[sflag:s18] =	ssyncset.done $0x0  }
0x81: {  	[sflag:s18] =	ssyncadd.s32 $0xFFFFC000  }
0x82: {  	[spmem:s3] =	stream.indirect.scatter.add.f32 [tilespmem:s14], [sflag:$0x3], $0x80, s21, s13, $0xb8;
	[tilespmem:$0x1FC00] =	vst v63  }
0x83: {  	_ =	swait.ge [sflag:s16], $0x4000  }
0x84: {  	[sflag:s16] =	ssyncset.done $0x0  }
0x85: {  	[sflag:s16] =	ssyncadd.s32 $0xFFFFC000  }
0x86: {  	_ =	swait.ge [sflag:s19], $0x4000  }
0x87: {  	[sflag:s19] =	ssyncset.done $0x0  }
0x88: {  	[sflag:s19] =	ssyncadd.s32 $0xFFFFC000  }
0x89: {  	[spmem:s3] =	stream.indirect.scatter.add.f32 [tilespmem:s17], [sflag:$0x3], $0x80, s22, s13, $0xb8;
	[tilespmem:$0x1FC00] =	vst v63  }
0x8a: {  	_ =	swait.ge [sflag:s16], $0x4000  }
0x8b: {  	[sflag:s16] =	ssyncset.done $0x0  }
0x8c: {  	s24 =	simm.s32 $0x0;
	[sflag:s16] =	ssyncadd.s32 $0xFFFFC000  }
0x8d: {  	[tilespmem:s24], [sflag:$0x3] =	stream.linear.gather [hbm4b:s10+s24], $0x2800, $0x38;
	[tilespmem:$0x1FC00] =	vst v63  }
0x8e: {  	_ =	swait.ge [sflag:s16], $0x2800  }
0x8f: {  	[sflag:s16] =	ssyncset.done $0x0  }
0x90: {  	s25 =	simm.s32 $0x0;
	[sflag:s16] =	ssyncadd.s32 $0xFFFFD800  }
0x91: {  	v0 =	vld [tilespmem:s25+$0x0];
	_ =	sdelay $0x3  }
0x92: {  	s24 =	simm.s32 $0x2840  }
0x93: {  	[tilespmem:s24+$0xFFFFFFC0] =	vst v0  }
0x94: {  	v0 =	vld [tilespmem:s25+$0x10];
	_ =	sdelay $0x4  }
0x95: {  	[tilespmem:s24+$0xFFFFFFD0] =	vst v0  }
0x96: {  	v0 =	vld [tilespmem:s25+$0x20];
	_ =	sdelay $0x4  }
0x97: {  	[tilespmem:s24+$0xFFFFFFE0] =	vst v0  }
0x98: {  	v0 =	vld [tilespmem:s25+$0x30];
	_ =	sdelay $0x4  }
0x99: {  	[tilespmem:s24+$0xFFFFFFF0] =	vst v0  }
0x9a: {  	v0 =	vld [tilespmem:s25+$0x40];
	_ =	sdelay $0x4  }
0x9b: {  	[tilespmem:s24+$0x0] =	vst v0  }
0x9c: {  	v0 =	vld [tilespmem:s25+$0x50];
	_ =	sdelay $0x4  }
0x9d: {  	[tilespmem:s24+$0x10] =	vst v0  }
0x9e: {  	v0 =	vld [tilespmem:s25+$0x60];
	_ =	sdelay $0x4  }
0x9f: {  	[tilespmem:s24+$0x20] =	vst v0  }
0xa0: {  	v0 =	vld [tilespmem:s25+$0x70];
	_ =	sdelay $0x4  }
0xa1: {  	s26 =	simm.s32 $0x800;
	s25 =	simm.s32 $0x100;
	[tilespmem:s24+$0x30] =	vst v0  }
.LBB2_6:
0xa2: {  	p1 =	sne.s32 s26, $0x9C00;
	v0 =	vld [tilespmem:s25+$0x0];
	_ =	sdelay $0x3  }
0xa3: {  	s24 =	sadd.s32 $0x80, s24  }
0xa4: {  	[tilespmem:s24+$0xFFFFFFC0] =	vst v0  }
0xa5: {  	v0 =	vld [tilespmem:s25+$0x10];
	_ =	sdelay $0x4  }
0xa6: {  	[tilespmem:s24+$0xFFFFFFD0] =	vst v0  }
0xa7: {  	v0 =	vld [tilespmem:s25+$0x20];
	_ =	sdelay $0x4  }
0xa8: {  	[tilespmem:s24+$0xFFFFFFE0] =	vst v0  }
0xa9: {  	v0 =	vld [tilespmem:s25+$0x30];
	_ =	sdelay $0x4  }
0xaa: {  	[tilespmem:s24+$0xFFFFFFF0] =	vst v0  }
0xab: {  	v0 =	vld [tilespmem:s25+$0x40];
	_ =	sdelay $0x4  }
0xac: {  	[tilespmem:s24+$0x0] =	vst v0  }
0xad: {  	v0 =	vld [tilespmem:s25+$0x50];
	_ =	sdelay $0x4  }
0xae: {  	[tilespmem:s24+$0x10] =	vst v0  }
0xaf: {  	v0 =	vld [tilespmem:s25+$0x60];
	_ =	sdelay $0x4  }
0xb0: {  	[tilespmem:s24+$0x20] =	vst v0  }
0xb1: {  	v0 =	vld [tilespmem:s25+$0x70]  }
.Ltmp2:
0xb2: {  	(pc) =	sbr.rel @p1 .LBB2_6-.Ltmp2, $2  }
0xb3: {  	_ =	sdelay $0x2  }
0xb4: {  	s25 =	sshra.s32 s26, $0x2;
	s26 =	sadd.s32 $0x400, s26;
	[tilespmem:s24+$0x30] =	vst v0  }
0xb5: {  	v0 =	vld [tilespmem:s25+$0x0];
	_ =	sdelay $0x3  }
0xb6: {  	s24 =	sadd.s32 $0x80, s24  }
0xb7: {  	[tilespmem:s24+$0xFFFFFFC0] =	vst v0  }
0xb8: {  	v0 =	vld [tilespmem:s25+$0x10];
	_ =	sdelay $0x4  }
0xb9: {  	[tilespmem:s24+$0xFFFFFFD0] =	vst v0  }
0xba: {  	v0 =	vld [tilespmem:s25+$0x20];
	_ =	sdelay $0x4  }
0xbb: {  	[tilespmem:s24+$0xFFFFFFE0] =	vst v0  }
0xbc: {  	v0 =	vld [tilespmem:s25+$0x30];
	_ =	sdelay $0x4  }
0xbd: {  	[tilespmem:s24+$0xFFFFFFF0] =	vst v0  }
0xbe: {  	v0 =	vld [tilespmem:s25+$0x40];
	_ =	sdelay $0x4  }
0xbf: {  	[tilespmem:s24+$0x0] =	vst v0  }
0xc0: {  	v0 =	vld [tilespmem:s25+$0x50];
	_ =	sdelay $0x4  }
0xc1: {  	[tilespmem:s24+$0x10] =	vst v0  }
0xc2: {  	v0 =	vld [tilespmem:s25+$0x60];
	_ =	sdelay $0x4  }
0xc3: {  	[tilespmem:s24+$0x20] =	vst v0  }
0xc4: {  	v0 =	vld [tilespmem:s25+$0x70];
	_ =	sdelay $0x4  }
0xc5: {  	[tilespmem:s24+$0x30] =	vst v0  }
0xc6: {  	[tilespmem:s14], [sflag:$0x1] =	stream.indirect.gather [hbm4b:s1+s13], $0x80, s13, s13, $0xb8;
	[tilespmem:$0x1FC00] =	vst v63  }
0xc7: {  	s24 =	simm.s32 $0x180  }
0xc8: {  	[tilespmem:s17], [sflag:$0x2] =	stream.indirect.gather [hbm4b:s1+s13], $0x80, s24, s13, $0xb8;
	[tilespmem:$0x1FC00] =	vst v63  }
0xc9: {  	_ =	swait.ge [sflag:s18], $0x4000  }
0xca: {  	[sflag:s18] =	ssyncset.done $0x0  }
0xcb: {  	s29 =	simm.s32 $0x2800;
	[sflag:s18] =	ssyncadd.s32 $0xFFFFC000  }
0xcc: {  	[spmem:s3] =	stream.indirect.scatter.add.f32 [tilespmem:s14], [sflag:$0x3], $0x80, s29, s13, $0xb8;
	[tilespmem:$0x1FC00] =	vst v63  }
0xcd: {  	_ =	swait.ge [sflag:s16], $0x4000  }
0xce: {  	[sflag:s16] =	ssyncset.done $0x0  }
0xcf: {  	s30 =	simm.s32 $0x280;
	[sflag:s16] =	ssyncadd.s32 $0xFFFFC000  }
0xd0: {  	[tilespmem:s14], [sflag:$0x1] =	stream.indirect.gather [hbm4b:s1+s13], $0x80, s30, s13, $0xb8;
	[tilespmem:$0x1FC00] =	vst v63  }
0xd1: {  	_ =	swait.ge [sflag:s19], $0x4000  }
0xd2: {  	[sflag:s19] =	ssyncset.done $0x0  }
0xd3: {  	s31 =	simm.s32 $0x2880;
	[sflag:s19] =	ssyncadd.s32 $0xFFFFC000  }
0xd4: {  	[spmem:s3] =	stream.indirect.scatter.add.f32 [tilespmem:s17], [sflag:$0x3], $0x80, s31, s13, $0xb8;
	[tilespmem:$0x1FC00] =	vst v63  }
0xd5: {  	_ =	swait.ge [sflag:s16], $0x4000  }
0xd6: {  	s25 =	simm.s32 $0x400;
	[sflag:s16] =	ssyncset.done $0x0  }
.LBB2_8:
0xd7: {  	p1 =	sne.s32 s25, $0x4800;
	[sflag:s16] =	ssyncadd.s32 $0xFFFFC000;
	s24 =	sadd.s32 $0x200, s24  }
0xd8: {  	[tilespmem:s17], [sflag:$0x2] =	stream.indirect.gather [hbm4b:s1+s13], $0x80, s24, s13, $0xb8;
	[tilespmem:$0x1FC00] =	vst v63  }
0xd9: {  	s26 =	smov.u32 s25;
	s25 =	sadd.s32 $0x400, s25;
	_ =	swait.ge [sflag:s18], $0x4000  }
0xda: {  	s26 =	sshra.s32 s26, $0x2;
	[sflag:s18] =	ssyncset.done $0x0  }
0xdb: {  	s28 =	sadd.s32 $0x2800, s26;
	[sflag:s18] =	ssyncadd.s32 $0xFFFFC000  }
0xdc: {  	[spmem:s3] =	stream.indirect.scatter.add.f32 [tilespmem:s14], [sflag:$0x3], $0x80, s28, s13, $0xb8;
	[tilespmem:$0x1FC00] =	vst v63  }
0xdd: {  	_ =	swait.ge [sflag:s16], $0x4000  }
0xde: {  	[sflag:s16] =	ssyncset.done $0x0  }
0xdf: {  	s28 =	sadd.s32 $0x100, s24;
	[sflag:s16] =	ssyncadd.s32 $0xFFFFC000  }
0xe0: {  	[tilespmem:s14], [sflag:$0x1] =	stream.indirect.gather [hbm4b:s1+s13], $0x80, s28, s13, $0xb8;
	[tilespmem:$0x1FC00] =	vst v63  }
0xe1: {  	_ =	swait.ge [sflag:s19], $0x4000  }
.Ltmp3:
0xe2: {  	[sflag:s19] =	ssyncset.done $0x0;
	(pc) =	sbr.rel @p1 .LBB2_8-.Ltmp3, $4  }
0xe3: {  	s26 =	sadd.s32 $0x2880, s26;
	[sflag:s19] =	ssyncadd.s32 $0xFFFFC000  }
0xe4: {  	[spmem:s3] =	stream.indirect.scatter.add.f32 [tilespmem:s17], [sflag:$0x3], $0x80, s26, s13, $0xb8;
	[tilespmem:$0x1FC00] =	vst v63  }
0xe5: {  	_ =	swait.ge [sflag:s16], $0x4000  }
0xe6: {  	[sflag:s16] =	ssyncset.done $0x0  }
0xe7: {  	[sflag:s16] =	ssyncadd.s32 $0xFFFFC000  }
0xe8: {  	[tilespmem:s17], [sflag:$0x2] =	stream.indirect.gather [hbm4b:s1+s13], $0x80, s20, s13, $0xb8;
	[tilespmem:$0x1FC00] =	vst v63  }
0xe9: {  	_ =	swait.ge [sflag:s18], $0x4000  }
0xea: {  	[sflag:s18] =	ssyncset.done $0x0  }
0xeb: {  	[sflag:s18] =	ssyncadd.s32 $0xFFFFC000  }
0xec: {  	[spmem:s3] =	stream.indirect.scatter.add.f32 [tilespmem:s14], [sflag:$0x3], $0x80, s21, s13, $0xb8;
	[tilespmem:$0x1FC00] =	vst v63  }
0xed: {  	_ =	swait.ge [sflag:s16], $0x4000  }
0xee: {  	[sflag:s16] =	ssyncset.done $0x0  }
0xef: {  	[sflag:s16] =	ssyncadd.s32 $0xFFFFC000  }
0xf0: {  	_ =	swait.ge [sflag:s19], $0x4000  }
0xf1: {  	[sflag:s19] =	ssyncset.done $0x0  }
0xf2: {  	[sflag:s19] =	ssyncadd.s32 $0xFFFFC000  }
0xf3: {  	[spmem:s3] =	stream.indirect.scatter.add.f32 [tilespmem:s17], [sflag:$0x3], $0x80, s22, s13, $0xb8;
	[tilespmem:$0x1FC00] =	vst v63  }
0xf4: {  	_ =	swait.ge [sflag:s16], $0x4000  }
0xf5: {  	s4 =	sadd.s32 $0x1, s4;
	[sflag:s16] =	ssyncset.done $0x0  }
0xf6: {  	p1 =	sne.s32 s4, s12;
	[sflag:s16] =	ssyncadd.s32 $0xFFFFC000  }
.Ltmp4:
0xf7: {  	[bflag:$0x0] =	sbarrier.arrive $0xFFFF;
	(pc) =	sbr.rel @p1 .LBB2_1-.Ltmp4, $4  }
0xf8: {  	[hbm:s11], [sflag:s15] =	dma.local [spmem:s23], $0x2800  }
0xf9: {  	_ =	swait.ge [sflag:s16], $0x2800  }
0xfa: {  	[sflag:s16] =	ssyncset.done $0x0  }
0xfb: {  	[sflag:s16] =	ssyncadd.s32 $0xFFFFD800  }
0xfc: {  	_ =	sfence.sel $0x180000  }
0xfd: {  	[bflag:$0x0] =	sbarrier.arrive $0xFFFF  }
0xfe: {  	p0 =	sne.s32 s2, $0x0;
	_ =	strace $0x9000004A  }
0xff: {  	s0 =	sadd.s32 @!p0 $0x100000, s0;
	[bflag:$0x2] =	sbarrier.arrive $0xFFFF  }
0x100: {  	[sflag:s0] =	ssyncadd.tile.s32 @!p0 $0x1;
	_ =	shalt  }
.Lfunc_end2:
_tile_overlayer_lowered:
.L_overlay_start_2:
0x101: {  	(tag) =	ssettag $0x2  }
0x102: {  	s0 =	rddreg [dreg:$0x0];
	s2 =	stileid.u32  }
0x103: {  	s1 =	rddreg [dreg:$0x1];
	p0 =	sne.s32 s2, $0x0  }
0x104: {  	s3 =	rddreg [dreg:$0x2];
	[bflag:$0x3] =	sbarrier.arrive $0xFFFF;
	s2 =	simm.s32 @!p0 $0x1C03  }
0x105: {  	[timem:s3], [sflag:s2] =	dma.local @!p0 [hbm:s0], s1  }
0x106: {  	s0 =	simm.s32 @!p0 $0x3  }
0x107: {  	_ =	swait.ge @!p0 [sflag:s0], s1  }
0x108: {  	s1 =	ssub.s32 @!p0 $0x0, s1;
	[sflag:s0] =	ssyncset.done @!p0 $0x0  }
0x109: {  	[sflag:s0] =	ssyncadd.s32 @!p0 s1  }
0x10a: {  	[bflag:$0x3] =	sbarrier.arrive $0xFFFF  }
0x10b: {  	_ =	shalt  }

</sc_bundles>
